<compile_context>
chip_gen: v7x
topology: tpu7x:2x2x1
jax: 0.10.2.dev20260603
libtpu: 0.0.44.dev20260713+nightly
codegen_flags: <defaults>
</compile_context>

<pallas_src>
import jax
import jax.numpy as jnp
from jax import lax
from jax.experimental import pallas as pl
from jax.experimental.pallas import tpu as pltpu
from jax.experimental.pallas import tpu_sc as plsc

B, L = 4096, 200
V, T, A = 100000, 26, 52
D = 64
DP = 128

NC, NS, LANES = 2, 16, 16
NW = NC * NS
N = B * L
PER_W = N // NW
C = 512
N_CHUNKS = PER_W // C


def _body(ids_hbm, pk_hbm, code_hbm, type_hbm, adm_hbm, out_hbm,
          ids_v, pk_v, rows0, rows1, type_tab, adm_tab,
          gsem0, gsem1, wsem0, wsem1):
    wid = lax.axis_index("s") * NC + lax.axis_index("c")
    rows = (rows0, rows1)
    gsem = (gsem0, gsem1)
    wsem = (wsem0, wsem1)

    pltpu.sync_copy(ids_hbm.at[wid], ids_v)
    pltpu.sync_copy(pk_hbm.at[wid], pk_v)
    pltpu.sync_copy(type_hbm, type_tab)
    pltpu.sync_copy(adm_hbm, adm_tab)

    def fire_gather(g, b):
        pltpu.async_copy(code_hbm.at[ids_v.at[g]], rows[b], gsem[b])

    def wait_gather(b):
        pltpu.make_async_copy(code_hbm.at[ids_v.at[0]], rows[b],
                              gsem[b]).wait()

    def fire_write(g, b):
        pltpu.async_copy(rows[b],
                         out_hbm.at[wid, g, :, pl.ds(0, D)], wsem[b])

    def wait_write(b):
        pltpu.make_async_copy(rows[b],
                              out_hbm.at[wid, 0, :, pl.ds(0, D)],
                              wsem[b]).wait()

    iota16 = lax.iota(jnp.int32, LANES)

    fire_gather(0, 0)

    @pl.loop(0, N_CHUNKS, step=2)
    def _outer(g0):
        for b in (0, 1):
            g = g0 + b
            ob = 1 - b

            @pl.when(g >= 1)
            def _():
                wait_write(ob)

            @pl.when(g + 1 < N_CHUNKS)
            def _():
                fire_gather(g + 1, ob)

            wait_gather(b)

            @pl.loop(0, C // LANES)
            def _grp(g2):
                tok16 = g2 * LANES + iota16
                pk16 = pk_v[g, pl.ds(g2 * LANES, LANES)]
                tt16 = lax.shift_right_logical(pk16, 6)
                adm16 = lax.bitwise_and(pk16, 63)

                @plsc.parallel_loop(0, LANES, unroll=4)
                def _d(d):
                    fvec = lax.bitwise_and(iota16 + d, LANES - 1)
                    for c in range(D // LANES):
                        col16 = fvec + c * LANES
                        tv = plsc.load_gather(type_tab, [tt16, col16])
                        av = plsc.load_gather(adm_tab, [adm16, col16])
                        plsc.addupdate_scatter(rows[b], [tok16, col16],
                                               tv + av)

            fire_write(g, b)

    wait_write((N_CHUNKS - 1) % 2)


@jax.jit
def kernel(input_ids, token_types, adm_index, code_embed, type_embed,
           adm_embed):
    ids3 = input_ids.reshape(NW, N_CHUNKS, C)
    packed3 = (token_types * 64 + adm_index).reshape(NW, N_CHUNKS, C)

    mesh = plsc.VectorSubcoreMesh(core_axis_name="c", subcore_axis_name="s")
    out = pl.kernel(
        _body,
        out_type=jax.ShapeDtypeStruct((NW, N_CHUNKS, C, DP), jnp.float32),
        mesh=mesh,
        compiler_params=pltpu.CompilerParams(use_tc_tiling_on_sc=False,
                                             needs_layout_passes=False),
        scratch_types=[
            pltpu.VMEM((N_CHUNKS, C), jnp.int32),
            pltpu.VMEM((N_CHUNKS, C), jnp.int32),
            pltpu.VMEM((C, D), jnp.float32),
            pltpu.VMEM((C, D), jnp.float32),
            pltpu.VMEM((T, D), jnp.float32),
            pltpu.VMEM((A, D), jnp.float32),
            pltpu.SemaphoreType.DMA,
            pltpu.SemaphoreType.DMA,
            pltpu.SemaphoreType.DMA,
            pltpu.SemaphoreType.DMA,
        ],
    )(ids3, packed3, code_embed, type_embed, adm_embed)
    return out.reshape(B, L, DP)[:, :, :D]

# --- scband reference (transcript-rebuilt; emitter-appended) ---
"""Pipeline reference for scband-token-embed-super-13692355740284 (READ-ONLY COPY).

The authoritative reference and input builder live on the scoring server;
editing this copy changes nothing except your own understanding.
"""

import jax, jax.numpy as jnp
import numpy as np

B, L = 4096, 200
V, T, A = 100000, 26, 52
D = 64

def setup_inputs(seed: int = 0) -> dict:
    key = jax.random.key(seed)
    k1, k2, k3, k4, k5, k6 = jax.random.split(key, 6)
    input_ids = jax.random.randint(k1, (B, L), 0, V, dtype=jnp.int32)
    token_types = jax.random.randint(k2, (B, L), 0, T, dtype=jnp.int32)
    adm_index = jax.random.randint(k3, (B, L), 0, A, dtype=jnp.int32)
    # xavier-uniform style init for embedding tables
    def xavier(k, fan_in, fan_out):
        limit = float(np.sqrt(6.0 / (fan_in + fan_out)))
        return jax.random.uniform(k, (fan_in, fan_out), minval=-limit, maxval=limit, dtype=jnp.float32)
    code_embed = xavier(k4, V, D)
    type_embed = xavier(k5, T, D)
    adm_embed = xavier(k6, A, D)
    return {
        'input_ids': input_ids,
        'token_types': token_types,
        'adm_index': adm_index,
        'code_embed': code_embed,
        'type_embed': type_embed,
        'adm_embed': adm_embed,
    }

def reference(input_ids, token_types, adm_index, code_embed, type_embed, adm_embed):
    # sample_embed_dim == super_embed_dim (full-width sample config),
    # so the sampled tables are the full tables.
    code_x = jnp.take(code_embed, input_ids, axis=0)
    type_x = jnp.take(type_embed, token_types, axis=0)
    adm_x = jnp.take(adm_embed, adm_index, axis=0)
    return code_x + type_x + adm_x

if __name__ == "__main__":
    import jax
    _d = setup_inputs()
    print(jax.jit(kernel)(*tuple(_d.values())))

</pallas_src>

<mosaic_0001>
#map = affine_map<(d0, d1) -> (0, 0, 0)>
#map1 = affine_map<(d0, d1) -> (0, 0)>
#map2 = affine_map<(d0, d1) -> (0, 0, 0, 0)>
module attributes {stable_mosaic.version = 14 : i64} {
  func.func @_body(%arg0: i32, %arg1: i32, %arg2: memref<32x50x512xi32, #tpu.memory_space<hbm>>, %arg3: memref<32x50x512xi32, #tpu.memory_space<hbm>>, %arg4: memref<100000x64xf32, #tpu.memory_space<hbm>>, %arg5: memref<26x64xf32, #tpu.memory_space<hbm>>, %arg6: memref<52x64xf32, #tpu.memory_space<hbm>>, %arg7: memref<32x50x512x128xf32, #tpu.memory_space<hbm>>, %arg8: memref<50x512xi32, #tpu.memory_space<vmem>>, %arg9: memref<50x512xi32, #tpu.memory_space<vmem>>, %arg10: memref<512x64xf32, #tpu.memory_space<vmem>>, %arg11: memref<512x64xf32, #tpu.memory_space<vmem>>, %arg12: memref<26x64xf32, #tpu.memory_space<vmem>>, %arg13: memref<52x64xf32, #tpu.memory_space<vmem>>, %arg14: memref<!tpu.dma_semaphore, #tpu.memory_space<semaphore_mem>>, %arg15: memref<!tpu.dma_semaphore, #tpu.memory_space<semaphore_mem>>, %arg16: memref<!tpu.dma_semaphore, #tpu.memory_space<semaphore_mem>>, %arg17: memref<!tpu.dma_semaphore, #tpu.memory_space<semaphore_mem>>) attributes {dimension_semantics = [#tpu.dimension_semantics<core_parallel>, #tpu.dimension_semantics<subcore_parallel>], iteration_bounds = array<i64: 2, 16>, scalar_prefetch = 0 : i64, scratch_operands = 10 : i64, tpu.core_type = #tpu.core_type<sc_vector_subcore>, window_params = [{transform_indices = #map}, {transform_indices = #map}, {transform_indices = #map1}, {transform_indices = #map1}, {transform_indices = #map1}, {transform_indices = #map2}]} {
    %mul3A = arith.constant 2 : i32
    %mul3A_0 = arith.muli %arg1, %mul3A : i32
    %add3A = arith.addi %mul3A_0, %arg0 : i32
    "tpu.region"() ({
      %run_scoped3A = tpu.sem_alloc : memref<!tpu.dma_semaphore, #tpu.memory_space<semaphore_mem>>
      %dma_start3A_19 = arith.constant 0 : i32
      %dma_start3A_20 = arith.constant 0 : i32
      %dma_start3A_21 = tpu.memref_slice %arg2[%add3A, %dma_start3A_19, %dma_start3A_20] : memref<32x50x512xi32, #tpu.memory_space<hbm>> -> memref<1x50x512xi32, #tpu.memory_space<hbm>>
      %dma_start3A_22 = tpu.memref_squeeze %dma_start3A_21 : memref<1x50x512xi32, #tpu.memory_space<hbm>> -> memref<50x512xi32, #tpu.memory_space<hbm>>
      %dma_start3A_23 = arith.constant 0 : i32
      %dma_start3A_24 = arith.constant 0 : i32
      %dma_start3A_25 = tpu.memref_slice %arg2[%add3A, %dma_start3A_23, %dma_start3A_24] : memref<32x50x512xi32, #tpu.memory_space<hbm>> -> memref<1x50x512xi32, #tpu.memory_space<hbm>>
      %dma_start3A_26 = tpu.memref_squeeze %dma_start3A_25 : memref<1x50x512xi32, #tpu.memory_space<hbm>> -> memref<50x512xi32, #tpu.memory_space<hbm>>
      tpu.enqueue_dma source(%dma_start3A_26 : memref<50x512xi32, #tpu.memory_space<hbm>>) target(%arg8 : memref<50x512xi32, #tpu.memory_space<vmem>>) target_semaphore(%run_scoped3A : memref<!tpu.dma_semaphore, #tpu.memory_space<semaphore_mem>>)
      %dma_wait3A_27 = arith.constant 0 : i32
      %dma_wait3A_28 = arith.constant 0 : i32
      %dma_wait3A_29 = tpu.memref_slice %arg2[%add3A, %dma_wait3A_27, %dma_wait3A_28] : memref<32x50x512xi32, #tpu.memory_space<hbm>> -> memref<1x50x512xi32, #tpu.memory_space<hbm>>
      %dma_wait3A_30 = tpu.memref_squeeze %dma_wait3A_29 : memref<1x50x512xi32, #tpu.memory_space<hbm>> -> memref<50x512xi32, #tpu.memory_space<hbm>>
      %dma_wait3A_31 = arith.constant 0 : i32
      %dma_wait3A_32 = arith.constant 0 : i32
      %dma_wait3A_33 = tpu.memref_slice %arg2[%add3A, %dma_wait3A_31, %dma_wait3A_32] : memref<32x50x512xi32, #tpu.memory_space<hbm>> -> memref<1x50x512xi32, #tpu.memory_space<hbm>>
      %dma_wait3A_34 = tpu.memref_squeeze %dma_wait3A_33 : memref<1x50x512xi32, #tpu.memory_space<hbm>> -> memref<50x512xi32, #tpu.memory_space<hbm>>
      tpu.wait_dma2 semaphore(%run_scoped3A : memref<!tpu.dma_semaphore, #tpu.memory_space<semaphore_mem>>) src(%dma_wait3A_34 : memref<50x512xi32, #tpu.memory_space<hbm>>) dst(%arg8 : memref<50x512xi32, #tpu.memory_space<vmem>>)
      tpu.yield
    }) : () -> ()
    "tpu.region"() ({
      %run_scoped3A = tpu.sem_alloc : memref<!tpu.dma_semaphore, #tpu.memory_space<semaphore_mem>>
      %dma_start3A_19 = arith.constant 0 : i32
      %dma_start3A_20 = arith.constant 0 : i32
      %dma_start3A_21 = tpu.memref_slice %arg3[%add3A, %dma_start3A_19, %dma_start3A_20] : memref<32x50x512xi32, #tpu.memory_space<hbm>> -> memref<1x50x512xi32, #tpu.memory_space<hbm>>
      %dma_start3A_22 = tpu.memref_squeeze %dma_start3A_21 : memref<1x50x512xi32, #tpu.memory_space<hbm>> -> memref<50x512xi32, #tpu.memory_space<hbm>>
      %dma_start3A_23 = arith.constant 0 : i32
      %dma_start3A_24 = arith.constant 0 : i32
      %dma_start3A_25 = tpu.memref_slice %arg3[%add3A, %dma_start3A_23, %dma_start3A_24] : memref<32x50x512xi32, #tpu.memory_space<hbm>> -> memref<1x50x512xi32, #tpu.memory_space<hbm>>
      %dma_start3A_26 = tpu.memref_squeeze %dma_start3A_25 : memref<1x50x512xi32, #tpu.memory_space<hbm>> -> memref<50x512xi32, #tpu.memory_space<hbm>>
      tpu.enqueue_dma source(%dma_start3A_26 : memref<50x512xi32, #tpu.memory_space<hbm>>) target(%arg9 : memref<50x512xi32, #tpu.memory_space<vmem>>) target_semaphore(%run_scoped3A : memref<!tpu.dma_semaphore, #tpu.memory_space<semaphore_mem>>)
      %dma_wait3A_27 = arith.constant 0 : i32
      %dma_wait3A_28 = arith.constant 0 : i32
      %dma_wait3A_29 = tpu.memref_slice %arg3[%add3A, %dma_wait3A_27, %dma_wait3A_28] : memref<32x50x512xi32, #tpu.memory_space<hbm>> -> memref<1x50x512xi32, #tpu.memory_space<hbm>>
      %dma_wait3A_30 = tpu.memref_squeeze %dma_wait3A_29 : memref<1x50x512xi32, #tpu.memory_space<hbm>> -> memref<50x512xi32, #tpu.memory_space<hbm>>
      %dma_wait3A_31 = arith.constant 0 : i32
      %dma_wait3A_32 = arith.constant 0 : i32
      %dma_wait3A_33 = tpu.memref_slice %arg3[%add3A, %dma_wait3A_31, %dma_wait3A_32] : memref<32x50x512xi32, #tpu.memory_space<hbm>> -> memref<1x50x512xi32, #tpu.memory_space<hbm>>
      %dma_wait3A_34 = tpu.memref_squeeze %dma_wait3A_33 : memref<1x50x512xi32, #tpu.memory_space<hbm>> -> memref<50x512xi32, #tpu.memory_space<hbm>>
      tpu.wait_dma2 semaphore(%run_scoped3A : memref<!tpu.dma_semaphore, #tpu.memory_space<semaphore_mem>>) src(%dma_wait3A_34 : memref<50x512xi32, #tpu.memory_space<hbm>>) dst(%arg9 : memref<50x512xi32, #tpu.memory_space<vmem>>)
      tpu.yield
    }) : () -> ()
    "tpu.region"() ({
      %run_scoped3A = tpu.sem_alloc : memref<!tpu.dma_semaphore, #tpu.memory_space<semaphore_mem>>
      tpu.enqueue_dma source(%arg5 : memref<26x64xf32, #tpu.memory_space<hbm>>) target(%arg12 : memref<26x64xf32, #tpu.memory_space<vmem>>) target_semaphore(%run_scoped3A : memref<!tpu.dma_semaphore, #tpu.memory_space<semaphore_mem>>)
      tpu.wait_dma2 semaphore(%run_scoped3A : memref<!tpu.dma_semaphore, #tpu.memory_space<semaphore_mem>>) src(%arg5 : memref<26x64xf32, #tpu.memory_space<hbm>>) dst(%arg12 : memref<26x64xf32, #tpu.memory_space<vmem>>)
      tpu.yield
    }) : () -> ()
    "tpu.region"() ({
      %run_scoped3A = tpu.sem_alloc : memref<!tpu.dma_semaphore, #tpu.memory_space<semaphore_mem>>
      tpu.enqueue_dma source(%arg6 : memref<52x64xf32, #tpu.memory_space<hbm>>) target(%arg13 : memref<52x64xf32, #tpu.memory_space<vmem>>) target_semaphore(%run_scoped3A : memref<!tpu.dma_semaphore, #tpu.memory_space<semaphore_mem>>)
      tpu.wait_dma2 semaphore(%run_scoped3A : memref<!tpu.dma_semaphore, #tpu.memory_space<semaphore_mem>>) src(%arg6 : memref<52x64xf32, #tpu.memory_space<hbm>>) dst(%arg13 : memref<52x64xf32, #tpu.memory_space<vmem>>)
      tpu.yield
    }) : () -> ()
    %iota3A = tpu.iota {dimensions = array<i32: 0>} : vector<16xi32>
    %dma_start3A = arith.constant 0 : i32
    %dma_start3A_1 = arith.constant 0 : i32
    %dma_start3A_2 = tpu.memref_slice %arg8[%dma_start3A, %dma_start3A_1] : memref<50x512xi32, #tpu.memory_space<vmem>> -> memref<1x512xi32, #tpu.memory_space<vmem>>
    %dma_start3A_3 = tpu.memref_squeeze %dma_start3A_2 : memref<1x512xi32, #tpu.memory_space<vmem>> -> memref<512xi32, #tpu.memory_space<vmem>>
    %dma_start3A_4 = arith.constant 0 : i32
    %dma_start3A_5 = arith.constant 0 : i32
    %dma_start3A_6 = tpu.memref_slice %arg4[%dma_start3A_4, %dma_start3A_5] : memref<100000x64xf32, #tpu.memory_space<hbm>> -> memref<100000x64xf32, #tpu.memory_space<hbm>>
    tpu.enqueue_indirect_dma source(%dma_start3A_6 : memref<100000x64xf32, #tpu.memory_space<hbm>>) target(%arg10 : memref<512x64xf32, #tpu.memory_space<vmem>>) offsets(%dma_start3A_3 : memref<512xi32, #tpu.memory_space<vmem>>) semaphore(%arg14 : memref<!tpu.dma_semaphore, #tpu.memory_space<semaphore_mem>>)
    %scan3A = arith.constant 0 : i32
    %scan3A_7 = arith.constant 25 : i32
    %scan3A_8 = arith.addi %scan3A, %scan3A_7 : i32
    %scan3A_9 = arith.constant 1 : i32
    scf.for %scan3A_19 = %scan3A to %scan3A_8 step %scan3A_9  : i32 {
      %mul3A_20 = arith.constant 2 : i32
      %mul3A_21 = arith.muli %scan3A_19, %mul3A_20 : i32
      %add3A_22 = arith.constant 0 : i32
      %add3A_23 = arith.addi %add3A_22, %mul3A_21 : i32
      %add3A_24 = arith.constant 0 : i32
      %add3A_25 = arith.addi %add3A_23, %add3A_24 : i32
      %ge3A = arith.constant 1 : i32
      %ge3A_26 = arith.cmpi sge, %add3A_25, %ge3A : i32
      %convert_element_type3A = arith.extui %ge3A_26 : i1 to i32
      %cond3A = arith.constant 0 : i32
      %cond3A_27 = arith.cmpi ne, %convert_element_type3A, %cond3A : i32
      scf.if %cond3A_27 {
        %dma_wait3A_88 = arith.constant 0 : i32
        %dma_wait3A_89 = arith.constant 0 : i32
        %dma_wait3A_90 = arith.constant 0 : i32
        %dma_wait3A_91 = tpu.memref_slice %arg7[%add3A, %dma_wait3A_88, %dma_wait3A_89, %dma_wait3A_90] : memref<32x50x512x128xf32, #tpu.memory_space<hbm>> -> memref<1x1x512x64xf32, #tpu.memory_space<hbm>>
        %dma_wait3A_92 = tpu.memref_squeeze %dma_wait3A_91 : memref<1x1x512x64xf32, #tpu.memory_space<hbm>> -> memref<512x64xf32, #tpu.memory_space<hbm>>
        %dma_wait3A_93 = arith.constant 0 : i32
        %dma_wait3A_94 = arith.constant 0 : i32
        %dma_wait3A_95 = tpu.memref_slice %arg7[%add3A, %dma_wait3A_88, %dma_wait3A_93, %dma_wait3A_94] : memref<32x50x512x128xf32, #tpu.memory_space<hbm>> -> memref<1x1x512x64xf32, #tpu.memory_space<hbm>>
        %dma_wait3A_96 = tpu.memref_squeeze %dma_wait3A_95 : memref<1x1x512x64xf32, #tpu.memory_space<hbm>> -> memref<512x64xf32, #tpu.memory_space<hbm>>
        tpu.wait_dma2 semaphore(%arg17 : memref<!tpu.dma_semaphore, #tpu.memory_space<semaphore_mem>>) src(%arg11 : memref<512x64xf32, #tpu.memory_space<vmem>>) dst(%dma_wait3A_96 : memref<512x64xf32, #tpu.memory_space<hbm>>)
      } else {
      }
      %add3A_28 = arith.constant 1 : i32
      %add3A_29 = arith.addi %add3A_25, %add3A_28 : i32
      %lt3A = arith.constant 50 : i32
      %lt3A_30 = arith.cmpi slt, %add3A_29, %lt3A : i32
      %convert_element_type3A_31 = arith.extui %lt3A_30 : i1 to i32
      %cond3A_32 = arith.constant 0 : i32
      %cond3A_33 = arith.cmpi ne, %convert_element_type3A_31, %cond3A_32 : i32
      scf.if %cond3A_33 {
        %add3A_88 = arith.constant 1 : i32
        %add3A_89 = arith.addi %add3A_25, %add3A_88 : i32
        %dma_start3A_90 = arith.constant 0 : i32
        %dma_start3A_91 = tpu.memref_slice %arg8[%add3A_89, %dma_start3A_90] : memref<50x512xi32, #tpu.memory_space<vmem>> -> memref<1x512xi32, #tpu.memory_space<vmem>>
        %dma_start3A_92 = tpu.memref_squeeze %dma_start3A_91 : memref<1x512xi32, #tpu.memory_space<vmem>> -> memref<512xi32, #tpu.memory_space<vmem>>
        %dma_start3A_93 = arith.constant 0 : i32
        %dma_start3A_94 = arith.constant 0 : i32
        %dma_start3A_95 = tpu.memref_slice %arg4[%dma_start3A_93, %dma_start3A_94] : memref<100000x64xf32, #tpu.memory_space<hbm>> -> memref<100000x64xf32, #tpu.memory_space<hbm>>
        tpu.enqueue_indirect_dma source(%dma_start3A_95 : memref<100000x64xf32, #tpu.memory_space<hbm>>) target(%arg11 : memref<512x64xf32, #tpu.memory_space<vmem>>) offsets(%dma_start3A_92 : memref<512xi32, #tpu.memory_space<vmem>>) semaphore(%arg15 : memref<!tpu.dma_semaphore, #tpu.memory_space<semaphore_mem>>)
      } else {
      }
      %dma_wait3A_34 = arith.constant 0 : i32
      %dma_wait3A_35 = arith.constant 0 : i32
      %dma_wait3A_36 = tpu.memref_slice %arg8[%dma_wait3A_34, %dma_wait3A_35] : memref<50x512xi32, #tpu.memory_space<vmem>> -> memref<1x512xi32, #tpu.memory_space<vmem>>
      %dma_wait3A_37 = tpu.memref_squeeze %dma_wait3A_36 : memref<1x512xi32, #tpu.memory_space<vmem>> -> memref<512xi32, #tpu.memory_space<vmem>>
      %dma_wait3A_38 = arith.constant 0 : i32
      %dma_wait3A_39 = arith.constant 0 : i32
      %dma_wait3A_40 = tpu.memref_slice %arg4[%dma_wait3A_38, %dma_wait3A_39] : memref<100000x64xf32, #tpu.memory_space<hbm>> -> memref<100000x64xf32, #tpu.memory_space<hbm>>
      tpu.wait_indirect_dma semaphore(%arg14 : memref<!tpu.dma_semaphore, #tpu.memory_space<semaphore_mem>>) src(%dma_wait3A_40 : memref<100000x64xf32, #tpu.memory_space<hbm>>) dst(%arg10 : memref<512x64xf32, #tpu.memory_space<vmem>>)
      %scan3A_41 = arith.constant 0 : i32
      %scan3A_42 = arith.constant 32 : i32
      %scan3A_43 = arith.addi %scan3A_41, %scan3A_42 : i32
      %scan3A_44 = arith.constant 1 : i32
      scf.for %scan3A_88 = %scan3A_41 to %scan3A_43 step %scan3A_44  : i32 {
        %mul3A_89 = arith.constant 1 : i32
        %mul3A_90 = arith.muli %scan3A_88, %mul3A_89 : i32
        %add3A_91 = arith.constant 0 : i32
        %add3A_92 = arith.addi %add3A_91, %mul3A_90 : i32
        %mul3A_93 = arith.constant 16 : i32
        %mul3A_94 = arith.muli %add3A_92, %mul3A_93 : i32
        %add3A_95 = vector.broadcast %mul3A_94 : i32 to vector<16xi32>
        %add3A_96 = arith.addi %add3A_95, %iota3A : vector<16xi32>
        %mul3A_97 = arith.constant 16 : i32
        %mul3A_98 = arith.muli %add3A_92, %mul3A_97 : i32
        %get3A = arith.index_cast %add3A_25 : i32 to index
        %get3A_99 = arith.index_cast %mul3A_98 : i32 to index
        %get3A_100 = tpu.vector_load %arg9[%get3A, %get3A_99] {strides = array<i32>} : memref<50x512xi32, #tpu.memory_space<vmem>>, vector<16xi32>,
        %shift_right_logical3A = arith.constant 6 : i32
        %shift_right_logical3A_101 = vector.broadcast %shift_right_logical3A : i32 to vector<16xi32>
        %shift_right_logical3A_102 = arith.shrui %get3A_100, %shift_right_logical3A_101 : vector<16xi32>
        %and3A = arith.constant 63 : i32
        %and3A_103 = vector.broadcast %and3A : i32 to vector<16xi32>
        %and3A_104 = arith.andi %get3A_100, %and3A_103 : vector<16xi32>
        %parallel_loop3A = arith.constant 0 : i32
        %parallel_loop3A_105 = arith.constant 16 : i32
        %parallel_loop3A_106 = arith.constant 1 : i32
        scf.for %parallel_loop3A_107 = %parallel_loop3A to %parallel_loop3A_105 step %parallel_loop3A_106  : i32 {
          %parallel_loop3A_108 = vector.broadcast %parallel_loop3A_107 : i32 to vector<16xi32>
          %parallel_loop3A_109 = arith.addi %iota3A, %parallel_loop3A_108 : vector<16xi32>
          %parallel_loop3A_110 = arith.constant 15 : i32
          %parallel_loop3A_111 = vector.broadcast %parallel_loop3A_110 : i32 to vector<16xi32>
          %parallel_loop3A_112 = arith.andi %parallel_loop3A_109, %parallel_loop3A_111 : vector<16xi32>
          %parallel_loop3A_113 = arith.constant 0 : i32
          %parallel_loop3A_114 = vector.broadcast %parallel_loop3A_113 : i32 to vector<16xi32>
          %parallel_loop3A_115 = arith.addi %parallel_loop3A_112, %parallel_loop3A_114 : vector<16xi32>
          %parallel_loop3A_116 = tpu.vector_load_idx %arg12[%shift_right_logical3A_102, %parallel_loop3A_115] : memref<26x64xf32, #tpu.memory_space<vmem>>[vector<16xi32>, vector<16xi32>], vector<16xf32>,
          %parallel_loop3A_117 = tpu.vector_load_idx %arg13[%and3A_104, %parallel_loop3A_115] : memref<52x64xf32, #tpu.memory_space<vmem>>[vector<16xi32>, vector<16xi32>], vector<16xf32>,
          %parallel_loop3A_118 = arith.addf %parallel_loop3A_116, %parallel_loop3A_117 : vector<16xf32>
          tpu.vector_store_idx %arg10[%add3A_96, %parallel_loop3A_115], %parallel_loop3A_118 {add = true} : memref<512x64xf32, #tpu.memory_space<vmem>>[vector<16xi32>, vector<16xi32>], vector<16xf32>,
          %parallel_loop3A_119 = arith.constant 16 : i32
          %parallel_loop3A_120 = vector.broadcast %parallel_loop3A_119 : i32 to vector<16xi32>
          %parallel_loop3A_121 = arith.addi %parallel_loop3A_112, %parallel_loop3A_120 : vector<16xi32>
          %parallel_loop3A_122 = tpu.vector_load_idx %arg12[%shift_right_logical3A_102, %parallel_loop3A_121] : memref<26x64xf32, #tpu.memory_space<vmem>>[vector<16xi32>, vector<16xi32>], vector<16xf32>,
          %parallel_loop3A_123 = tpu.vector_load_idx %arg13[%and3A_104, %parallel_loop3A_121] : memref<52x64xf32, #tpu.memory_space<vmem>>[vector<16xi32>, vector<16xi32>], vector<16xf32>,
          %parallel_loop3A_124 = arith.addf %parallel_loop3A_122, %parallel_loop3A_123 : vector<16xf32>
          tpu.vector_store_idx %arg10[%add3A_96, %parallel_loop3A_121], %parallel_loop3A_124 {add = true} : memref<512x64xf32, #tpu.memory_space<vmem>>[vector<16xi32>, vector<16xi32>], vector<16xf32>,
          %parallel_loop3A_125 = arith.constant 32 : i32
          %parallel_loop3A_126 = vector.broadcast %parallel_loop3A_125 : i32 to vector<16xi32>
          %parallel_loop3A_127 = arith.addi %parallel_loop3A_112, %parallel_loop3A_126 : vector<16xi32>
          %parallel_loop3A_128 = tpu.vector_load_idx %arg12[%shift_right_logical3A_102, %parallel_loop3A_127] : memref<26x64xf32, #tpu.memory_space<vmem>>[vector<16xi32>, vector<16xi32>], vector<16xf32>,
          %parallel_loop3A_129 = tpu.vector_load_idx %arg13[%and3A_104, %parallel_loop3A_127] : memref<52x64xf32, #tpu.memory_space<vmem>>[vector<16xi32>, vector<16xi32>], vector<16xf32>,
          %parallel_loop3A_130 = arith.addf %parallel_loop3A_128, %parallel_loop3A_129 : vector<16xf32>
          tpu.vector_store_idx %arg10[%add3A_96, %parallel_loop3A_127], %parallel_loop3A_130 {add = true} : memref<512x64xf32, #tpu.memory_space<vmem>>[vector<16xi32>, vector<16xi32>], vector<16xf32>,
          %parallel_loop3A_131 = arith.constant 48 : i32
          %parallel_loop3A_132 = vector.broadcast %parallel_loop3A_131 : i32 to vector<16xi32>
          %parallel_loop3A_133 = arith.addi %parallel_loop3A_112, %parallel_loop3A_132 : vector<16xi32>
          %parallel_loop3A_134 = tpu.vector_load_idx %arg12[%shift_right_logical3A_102, %parallel_loop3A_133] : memref<26x64xf32, #tpu.memory_space<vmem>>[vector<16xi32>, vector<16xi32>], vector<16xf32>,
          %parallel_loop3A_135 = tpu.vector_load_idx %arg13[%and3A_104, %parallel_loop3A_133] : memref<52x64xf32, #tpu.memory_space<vmem>>[vector<16xi32>, vector<16xi32>], vector<16xf32>,
          %parallel_loop3A_136 = arith.addf %parallel_loop3A_134, %parallel_loop3A_135 : vector<16xf32>
          tpu.vector_store_idx %arg10[%add3A_96, %parallel_loop3A_133], %parallel_loop3A_136 {add = true} : memref<512x64xf32, #tpu.memory_space<vmem>>[vector<16xi32>, vector<16xi32>], vector<16xf32>,
        } {sc.loop_unroll_factor = 4 : i64, sc.parallel_access}
      }
      %scan3A_45 = arith.constant 32 : i32
      %dma_start3A_46 = arith.constant 0 : i32
      %dma_start3A_47 = arith.constant 0 : i32
      %dma_start3A_48 = tpu.memref_slice %arg7[%add3A, %add3A_25, %dma_start3A_46, %dma_start3A_47] : memref<32x50x512x128xf32, #tpu.memory_space<hbm>> -> memref<1x1x512x64xf32, #tpu.memory_space<hbm>>
      %dma_start3A_49 = tpu.memref_squeeze %dma_start3A_48 : memref<1x1x512x64xf32, #tpu.memory_space<hbm>> -> memref<512x64xf32, #tpu.memory_space<hbm>>
      %dma_start3A_50 = arith.constant 0 : i32
      %dma_start3A_51 = arith.constant 0 : i32
      %dma_start3A_52 = tpu.memref_slice %arg7[%add3A, %add3A_25, %dma_start3A_50, %dma_start3A_51] : memref<32x50x512x128xf32, #tpu.memory_space<hbm>> -> memref<1x1x512x64xf32, #tpu.memory_space<hbm>>
      %dma_start3A_53 = tpu.memref_squeeze %dma_start3A_52 : memref<1x1x512x64xf32, #tpu.memory_space<hbm>> -> memref<512x64xf32, #tpu.memory_space<hbm>>
      tpu.enqueue_dma source(%arg10 : memref<512x64xf32, #tpu.memory_space<vmem>>) target(%dma_start3A_53 : memref<512x64xf32, #tpu.memory_space<hbm>>) target_semaphore(%arg16 : memref<!tpu.dma_semaphore, #tpu.memory_space<semaphore_mem>>)
      %add3A_54 = arith.constant 1 : i32
      %add3A_55 = arith.addi %add3A_23, %add3A_54 : i32
      %ge3A_56 = arith.constant 1 : i32
      %ge3A_57 = arith.cmpi sge, %add3A_55, %ge3A_56 : i32
      %convert_element_type3A_58 = arith.extui %ge3A_57 : i1 to i32
      %cond3A_59 = arith.constant 0 : i32
      %cond3A_60 = arith.cmpi ne, %convert_element_type3A_58, %cond3A_59 : i32
      scf.if %cond3A_60 {
        %dma_wait3A_88 = arith.constant 0 : i32
        %dma_wait3A_89 = arith.constant 0 : i32
        %dma_wait3A_90 = arith.constant 0 : i32
        %dma_wait3A_91 = tpu.memref_slice %arg7[%add3A, %dma_wait3A_88, %dma_wait3A_89, %dma_wait3A_90] : memref<32x50x512x128xf32, #tpu.memory_space<hbm>> -> memref<1x1x512x64xf32, #tpu.memory_space<hbm>>
        %dma_wait3A_92 = tpu.memref_squeeze %dma_wait3A_91 : memref<1x1x512x64xf32, #tpu.memory_space<hbm>> -> memref<512x64xf32, #tpu.memory_space<hbm>>
        %dma_wait3A_93 = arith.constant 0 : i32
        %dma_wait3A_94 = arith.constant 0 : i32
        %dma_wait3A_95 = tpu.memref_slice %arg7[%add3A, %dma_wait3A_88, %dma_wait3A_93, %dma_wait3A_94] : memref<32x50x512x128xf32, #tpu.memory_space<hbm>> -> memref<1x1x512x64xf32, #tpu.memory_space<hbm>>
        %dma_wait3A_96 = tpu.memref_squeeze %dma_wait3A_95 : memref<1x1x512x64xf32, #tpu.memory_space<hbm>> -> memref<512x64xf32, #tpu.memory_space<hbm>>
        tpu.wait_dma2 semaphore(%arg16 : memref<!tpu.dma_semaphore, #tpu.memory_space<semaphore_mem>>) src(%arg10 : memref<512x64xf32, #tpu.memory_space<vmem>>) dst(%dma_wait3A_96 : memref<512x64xf32, #tpu.memory_space<hbm>>)
      } else {
      }
      %add3A_61 = arith.constant 1 : i32
      %add3A_62 = arith.addi %add3A_55, %add3A_61 : i32
      %lt3A_63 = arith.constant 50 : i32
      %lt3A_64 = arith.cmpi slt, %add3A_62, %lt3A_63 : i32
      %convert_element_type3A_65 = arith.extui %lt3A_64 : i1 to i32
      %cond3A_66 = arith.constant 0 : i32
      %cond3A_67 = arith.cmpi ne, %convert_element_type3A_65, %cond3A_66 : i32
      scf.if %cond3A_67 {
        %add3A_88 = arith.constant 1 : i32
        %add3A_89 = arith.addi %add3A_55, %add3A_88 : i32
        %dma_start3A_90 = arith.constant 0 : i32
        %dma_start3A_91 = tpu.memref_slice %arg8[%add3A_89, %dma_start3A_90] : memref<50x512xi32, #tpu.memory_space<vmem>> -> memref<1x512xi32, #tpu.memory_space<vmem>>
        %dma_start3A_92 = tpu.memref_squeeze %dma_start3A_91 : memref<1x512xi32, #tpu.memory_space<vmem>> -> memref<512xi32, #tpu.memory_space<vmem>>
        %dma_start3A_93 = arith.constant 0 : i32
        %dma_start3A_94 = arith.constant 0 : i32
        %dma_start3A_95 = tpu.memref_slice %arg4[%dma_start3A_93, %dma_start3A_94] : memref<100000x64xf32, #tpu.memory_space<hbm>> -> memref<100000x64xf32, #tpu.memory_space<hbm>>
        tpu.enqueue_indirect_dma source(%dma_start3A_95 : memref<100000x64xf32, #tpu.memory_space<hbm>>) target(%arg10 : memref<512x64xf32, #tpu.memory_space<vmem>>) offsets(%dma_start3A_92 : memref<512xi32, #tpu.memory_space<vmem>>) semaphore(%arg14 : memref<!tpu.dma_semaphore, #tpu.memory_space<semaphore_mem>>)
      } else {
      }
      %dma_wait3A_68 = arith.constant 0 : i32
      %dma_wait3A_69 = arith.constant 0 : i32
      %dma_wait3A_70 = tpu.memref_slice %arg8[%dma_wait3A_68, %dma_wait3A_69] : memref<50x512xi32, #tpu.memory_space<vmem>> -> memref<1x512xi32, #tpu.memory_space<vmem>>
      %dma_wait3A_71 = tpu.memref_squeeze %dma_wait3A_70 : memref<1x512xi32, #tpu.memory_space<vmem>> -> memref<512xi32, #tpu.memory_space<vmem>>
      %dma_wait3A_72 = arith.constant 0 : i32
      %dma_wait3A_73 = arith.constant 0 : i32
      %dma_wait3A_74 = tpu.memref_slice %arg4[%dma_wait3A_72, %dma_wait3A_73] : memref<100000x64xf32, #tpu.memory_space<hbm>> -> memref<100000x64xf32, #tpu.memory_space<hbm>>
      tpu.wait_indirect_dma semaphore(%arg15 : memref<!tpu.dma_semaphore, #tpu.memory_space<semaphore_mem>>) src(%dma_wait3A_74 : memref<100000x64xf32, #tpu.memory_space<hbm>>) dst(%arg11 : memref<512x64xf32, #tpu.memory_space<vmem>>)
      %scan3A_75 = arith.constant 0 : i32
      %scan3A_76 = arith.constant 32 : i32
      %scan3A_77 = arith.addi %scan3A_75, %scan3A_76 : i32
      %scan3A_78 = arith.constant 1 : i32
      scf.for %scan3A_88 = %scan3A_75 to %scan3A_77 step %scan3A_78  : i32 {
        %mul3A_89 = arith.constant 1 : i32
        %mul3A_90 = arith.muli %scan3A_88, %mul3A_89 : i32
        %add3A_91 = arith.constant 0 : i32
        %add3A_92 = arith.addi %add3A_91, %mul3A_90 : i32
        %mul3A_93 = arith.constant 16 : i32
        %mul3A_94 = arith.muli %add3A_92, %mul3A_93 : i32
        %add3A_95 = vector.broadcast %mul3A_94 : i32 to vector<16xi32>
        %add3A_96 = arith.addi %add3A_95, %iota3A : vector<16xi32>
        %mul3A_97 = arith.constant 16 : i32
        %mul3A_98 = arith.muli %add3A_92, %mul3A_97 : i32
        %get3A = arith.index_cast %add3A_55 : i32 to index
        %get3A_99 = arith.index_cast %mul3A_98 : i32 to index
        %get3A_100 = tpu.vector_load %arg9[%get3A, %get3A_99] {strides = array<i32>} : memref<50x512xi32, #tpu.memory_space<vmem>>, vector<16xi32>,
        %shift_right_logical3A = arith.constant 6 : i32
        %shift_right_logical3A_101 = vector.broadcast %shift_right_logical3A : i32 to vector<16xi32>
        %shift_right_logical3A_102 = arith.shrui %get3A_100, %shift_right_logical3A_101 : vector<16xi32>
        %and3A = arith.constant 63 : i32
        %and3A_103 = vector.broadcast %and3A : i32 to vector<16xi32>
        %and3A_104 = arith.andi %get3A_100, %and3A_103 : vector<16xi32>
        %parallel_loop3A = arith.constant 0 : i32
        %parallel_loop3A_105 = arith.constant 16 : i32
        %parallel_loop3A_106 = arith.constant 1 : i32
        scf.for %parallel_loop3A_107 = %parallel_loop3A to %parallel_loop3A_105 step %parallel_loop3A_106  : i32 {
          %parallel_loop3A_108 = vector.broadcast %parallel_loop3A_107 : i32 to vector<16xi32>
          %parallel_loop3A_109 = arith.addi %iota3A, %parallel_loop3A_108 : vector<16xi32>
          %parallel_loop3A_110 = arith.constant 15 : i32
          %parallel_loop3A_111 = vector.broadcast %parallel_loop3A_110 : i32 to vector<16xi32>
          %parallel_loop3A_112 = arith.andi %parallel_loop3A_109, %parallel_loop3A_111 : vector<16xi32>
          %parallel_loop3A_113 = arith.constant 0 : i32
          %parallel_loop3A_114 = vector.broadcast %parallel_loop3A_113 : i32 to vector<16xi32>
          %parallel_loop3A_115 = arith.addi %parallel_loop3A_112, %parallel_loop3A_114 : vector<16xi32>
          %parallel_loop3A_116 = tpu.vector_load_idx %arg12[%shift_right_logical3A_102, %parallel_loop3A_115] : memref<26x64xf32, #tpu.memory_space<vmem>>[vector<16xi32>, vector<16xi32>], vector<16xf32>,
          %parallel_loop3A_117 = tpu.vector_load_idx %arg13[%and3A_104, %parallel_loop3A_115] : memref<52x64xf32, #tpu.memory_space<vmem>>[vector<16xi32>, vector<16xi32>], vector<16xf32>,
          %parallel_loop3A_118 = arith.addf %parallel_loop3A_116, %parallel_loop3A_117 : vector<16xf32>
          tpu.vector_store_idx %arg11[%add3A_96, %parallel_loop3A_115], %parallel_loop3A_118 {add = true} : memref<512x64xf32, #tpu.memory_space<vmem>>[vector<16xi32>, vector<16xi32>], vector<16xf32>,
          %parallel_loop3A_119 = arith.constant 16 : i32
          %parallel_loop3A_120 = vector.broadcast %parallel_loop3A_119 : i32 to vector<16xi32>
          %parallel_loop3A_121 = arith.addi %parallel_loop3A_112, %parallel_loop3A_120 : vector<16xi32>
          %parallel_loop3A_122 = tpu.vector_load_idx %arg12[%shift_right_logical3A_102, %parallel_loop3A_121] : memref<26x64xf32, #tpu.memory_space<vmem>>[vector<16xi32>, vector<16xi32>], vector<16xf32>,
          %parallel_loop3A_123 = tpu.vector_load_idx %arg13[%and3A_104, %parallel_loop3A_121] : memref<52x64xf32, #tpu.memory_space<vmem>>[vector<16xi32>, vector<16xi32>], vector<16xf32>,
          %parallel_loop3A_124 = arith.addf %parallel_loop3A_122, %parallel_loop3A_123 : vector<16xf32>
          tpu.vector_store_idx %arg11[%add3A_96, %parallel_loop3A_121], %parallel_loop3A_124 {add = true} : memref<512x64xf32, #tpu.memory_space<vmem>>[vector<16xi32>, vector<16xi32>], vector<16xf32>,
          %parallel_loop3A_125 = arith.constant 32 : i32
          %parallel_loop3A_126 = vector.broadcast %parallel_loop3A_125 : i32 to vector<16xi32>
          %parallel_loop3A_127 = arith.addi %parallel_loop3A_112, %parallel_loop3A_126 : vector<16xi32>
          %parallel_loop3A_128 = tpu.vector_load_idx %arg12[%shift_right_logical3A_102, %parallel_loop3A_127] : memref<26x64xf32, #tpu.memory_space<vmem>>[vector<16xi32>, vector<16xi32>], vector<16xf32>,
          %parallel_loop3A_129 = tpu.vector_load_idx %arg13[%and3A_104, %parallel_loop3A_127] : memref<52x64xf32, #tpu.memory_space<vmem>>[vector<16xi32>, vector<16xi32>], vector<16xf32>,
          %parallel_loop3A_130 = arith.addf %parallel_loop3A_128, %parallel_loop3A_129 : vector<16xf32>
          tpu.vector_store_idx %arg11[%add3A_96, %parallel_loop3A_127], %parallel_loop3A_130 {add = true} : memref<512x64xf32, #tpu.memory_space<vmem>>[vector<16xi32>, vector<16xi32>], vector<16xf32>,
          %parallel_loop3A_131 = arith.constant 48 : i32
          %parallel_loop3A_132 = vector.broadcast %parallel_loop3A_131 : i32 to vector<16xi32>
          %parallel_loop3A_133 = arith.addi %parallel_loop3A_112, %parallel_loop3A_132 : vector<16xi32>
          %parallel_loop3A_134 = tpu.vector_load_idx %arg12[%shift_right_logical3A_102, %parallel_loop3A_133] : memref<26x64xf32, #tpu.memory_space<vmem>>[vector<16xi32>, vector<16xi32>], vector<16xf32>,
          %parallel_loop3A_135 = tpu.vector_load_idx %arg13[%and3A_104, %parallel_loop3A_133] : memref<52x64xf32, #tpu.memory_space<vmem>>[vector<16xi32>, vector<16xi32>], vector<16xf32>,
          %parallel_loop3A_136 = arith.addf %parallel_loop3A_134, %parallel_loop3A_135 : vector<16xf32>
          tpu.vector_store_idx %arg11[%add3A_96, %parallel_loop3A_133], %parallel_loop3A_136 {add = true} : memref<512x64xf32, #tpu.memory_space<vmem>>[vector<16xi32>, vector<16xi32>], vector<16xf32>,
        } {sc.loop_unroll_factor = 4 : i64, sc.parallel_access}
      }
      %scan3A_79 = arith.constant 32 : i32
      %dma_start3A_80 = arith.constant 0 : i32
      %dma_start3A_81 = arith.constant 0 : i32
      %dma_start3A_82 = tpu.memref_slice %arg7[%add3A, %add3A_55, %dma_start3A_80, %dma_start3A_81] : memref<32x50x512x128xf32, #tpu.memory_space<hbm>> -> memref<1x1x512x64xf32, #tpu.memory_space<hbm>>
      %dma_start3A_83 = tpu.memref_squeeze %dma_start3A_82 : memref<1x1x512x64xf32, #tpu.memory_space<hbm>> -> memref<512x64xf32, #tpu.memory_space<hbm>>
      %dma_start3A_84 = arith.constant 0 : i32
      %dma_start3A_85 = arith.constant 0 : i32
      %dma_start3A_86 = tpu.memref_slice %arg7[%add3A, %add3A_55, %dma_start3A_84, %dma_start3A_85] : memref<32x50x512x128xf32, #tpu.memory_space<hbm>> -> memref<1x1x512x64xf32, #tpu.memory_space<hbm>>
      %dma_start3A_87 = tpu.memref_squeeze %dma_start3A_86 : memref<1x1x512x64xf32, #tpu.memory_space<hbm>> -> memref<512x64xf32, #tpu.memory_space<hbm>>
      tpu.enqueue_dma source(%arg11 : memref<512x64xf32, #tpu.memory_space<vmem>>) target(%dma_start3A_87 : memref<512x64xf32, #tpu.memory_space<hbm>>) target_semaphore(%arg17 : memref<!tpu.dma_semaphore, #tpu.memory_space<semaphore_mem>>)
    }
    %scan3A_10 = arith.constant 25 : i32
    %dma_wait3A = arith.constant 0 : i32
    %dma_wait3A_11 = arith.constant 0 : i32
    %dma_wait3A_12 = arith.constant 0 : i32
    %dma_wait3A_13 = tpu.memref_slice %arg7[%add3A, %dma_wait3A, %dma_wait3A_11, %dma_wait3A_12] : memref<32x50x512x128xf32, #tpu.memory_space<hbm>> -> memref<1x1x512x64xf32, #tpu.memory_space<hbm>>
    %dma_wait3A_14 = tpu.memref_squeeze %dma_wait3A_13 : memref<1x1x512x64xf32, #tpu.memory_space<hbm>> -> memref<512x64xf32, #tpu.memory_space<hbm>>
    %dma_wait3A_15 = arith.constant 0 : i32
    %dma_wait3A_16 = arith.constant 0 : i32
    %dma_wait3A_17 = tpu.memref_slice %arg7[%add3A, %dma_wait3A, %dma_wait3A_15, %dma_wait3A_16] : memref<32x50x512x128xf32, #tpu.memory_space<hbm>> -> memref<1x1x512x64xf32, #tpu.memory_space<hbm>>
    %dma_wait3A_18 = tpu.memref_squeeze %dma_wait3A_17 : memref<1x1x512x64xf32, #tpu.memory_space<hbm>> -> memref<512x64xf32, #tpu.memory_space<hbm>>
    tpu.wait_dma2 semaphore(%arg17 : memref<!tpu.dma_semaphore, #tpu.memory_space<semaphore_mem>>) src(%arg11 : memref<512x64xf32, #tpu.memory_space<vmem>>) dst(%dma_wait3A_18 : memref<512x64xf32, #tpu.memory_space<hbm>>)
    return
  }
}

</mosaic_0001>

<sc_bundles>
// kernel: kernel.3.cloned.1.call-start
scs
__scs_entry_jumppad:
0x0: {  	(pc) =	sbr.rel $0x88, $3  }
0x1: {  	(tag) =	ssettag $0x0;
	lr =	simm.s32 $0x1  }
0x2: {  	[smem:$0x3F9B] =	sst lr;
	_ =	strace $0xD0000000  }
0x3: {  	_ = 	snop  }
0x4: {  	_ = 	snop  }
0x5: {  	_ = 	snop  }
0x6: {  	_ = 	snop  }
0x7: {  	_ = 	snop  }
__scs_overlays_trampoline_lowered:
0x8: {  	[smem:$0x3FAA] =	sst s0  }
0x9: {  	[smem:$0x3FAB] =	sst s1  }
0xa: {  	[smem:$0x3FAC] =	sst s2  }
0xb: {  	[smem:$0x3FAD] =	sst s3  }
0xc: {  	[smem:$0x3FAE] =	sst s4  }
0xd: {  	[smem:$0x3FAF] =	sst s5  }
0xe: {  	[smem:$0x3FB0] =	sst s6  }
0xf: {  	[smem:$0x3FB1] =	sst s7  }
0x10: {  	[smem:$0x3FB2] =	sst s8  }
0x11: {  	[smem:$0x3FB3] =	sst s9;
	s0 =	simm.s32 @!p0 $0x0  }
0x12: {  	s1 =	sld [smem:$0x3F99];
	s0 =	simm.s32 @p0 $0x1  }
0x13: {  	[smem:$0x3FB4] =	sst s0;
	s0 =	simm.s32 @!p1 $0x0  }
0x14: {  	s2 =	sld [smem:$0x3F98];
	s0 =	simm.s32 @p1 $0x1  }
0x15: {  	[smem:$0x3FB5] =	sst s0;
	s0 =	simm.s32 @!p2 $0x0  }
0x16: {  	s3 =	sld [smem:$0x3FDB];
	s0 =	simm.s32 @p2 $0x1  }
0x17: {  	s4 =	simm.s32 $0x1BF5;
	[smem:$0x3FB7] =	sst s0  }
0x18: {  	s0 =	sld [smem:$0x3F9A];
	_ =	swait.ge [sflag:s4], $0x0  }
0x19: {  	s7 =	sld [smem:$0x3F9B]  }
0x1a: {  	s8 =	sadd.s32 $0xFFFFE003, lr  }
0x1b: {  	s9 =	sadd.s32 $0xFFFFFEF7, lr;
	s5 =	simm.s32 $0xFFFFFFFF;
	p2 =	slt.u32 s8, $0xFFFFF086  }
0x1c: {  	p1 =	slt.u32 s9, $0xF7A;
	s5 =	simm.s32 @!p2 $0x0  }
0x1d: {  	s5 =	simm.s32 @p1 $0x1;
	p0 =	seq.s32 s7, s2  }
0x1e: {  	s7 =	smul.u32 @!p0 $0xF7A, s2;
	p2 =	seq.s32 @!p0 s5, $0x0  }
0x1f: {  	s9 =	smul.u32 $0xF7A, s1;
	s8 =	simm.s32 @!p0 $0x1BF5;
	p2 =	por !p2, p0  }
0x20: {  	[sflag:s8] =	ssyncset.s32 @!p0 $0xFFFFF086;
	s6 =	sadd.s32 @!p0 s3, s7;
	s7 =	simm.s32 @!p0 $0x108  }
0x21: {  	s3 =	sadd.s32 s3, s9;
	s6 =	sadd.s32 @!p0 $0x88, s6;
	s7 =	simm.s32 @p2 $0x1082  }
0x22: {  	[simem:s7], [sflag:s8] =	dma.local @!p0 [hbm:s6], $0xF7A  }
0x23: {  	s9 =	sor.u32 $0xD0000000, s2;
	s6 =	simm.s32 $0x108;
	_ =	swait.ge @!p0 [sflag:s8], $0x0  }
0x24: {  	s3 =	sadd.s32 $0x88, s3;
	s6 =	simm.s32 @!p1 $0x1082;
	[sflag:s4] =	ssyncset.s32 $0xFFFFF086  }
0x25: {  	[simem:s6], [sflag:s4] =	dma.local [hbm:s3], $0xF7A  }
0x26: {  	[smem:$0x3F9B] =	sst s1;
	(tag) =	ssettag s2;
	_ =	strace s9  }
0x27: {  	s1 =	sld [smem:$0x3FAB]  }
0x28: {  	s2 =	sld [smem:$0x3FAC]  }
0x29: {  	s4 =	sld [smem:$0x3FAE]  }
0x2a: {  	p0 =	seq.s32 s5, $0x0;
	s5 =	sld [smem:$0x3FAF]  }
0x2b: {  	s6 =	sld [smem:$0x3FB0]  }
0x2c: {  	s7 =	sld [smem:$0x3FB1]  }
0x2d: {  	s3 =	simm.s32 $0x108;
	s8 =	sld [smem:$0x3FB2]  }
0x2e: {  	s3 =	simm.s32 @!p0 $0x1082;
	s9 =	sld [smem:$0x3FB3]  }
0x2f: {  	lr =	sadd.s32 s0, s3;
	s0 =	sld [smem:$0x3FAA]  }
0x30: {  	s3 =	sld [smem:$0x3FAD]  }
0x31: {  	[smem:$0x3FB6] =	sst s10  }
0x32: {  	s10 =	sld [smem:$0x3FB4];
	_ =	sdelay $0x3  }
0x33: {  	p0 =	seq.s32 s10, $0x1;
	s10 =	sld [smem:$0x3FB6];
	_ =	sdelay $0x3  }
0x34: {  	[smem:$0x3FB6] =	sst s10  }
0x35: {  	s10 =	sld [smem:$0x3FB5];
	_ =	sdelay $0x3  }
0x36: {  	p1 =	seq.s32 s10, $0x1;
	s10 =	sld [smem:$0x3FB6];
	_ =	sdelay $0x3  }
0x37: {  	[smem:$0x3FB6] =	sst s10  }
0x38: {  	s10 =	sld [smem:$0x3FB7]  }
0x39: {  	_ = 	snop;
	(pc) =	sbr.ind lr, $3  }
0x3a: {  	_ = 	snop  }
0x3b: {  	_ = 	snop  }
0x3c: {  	p2 =	seq.s32 s10, $0x1;
	s10 =	sld [smem:$0x3FB6]  }
0x3d: {  	_ =	shalt  }
0x3e: {  	_ =	shalt  }
0x3f: {  	_ =	shalt  }
0x40: {  	_ =	shalt  }
0x41: {  	_ =	shalt  }
0x42: {  	_ =	shalt  }
0x43: {  	_ =	shalt  }
0x44: {  	_ =	shalt  }
0x45: {  	_ =	shalt  }
0x46: {  	_ =	shalt  }
0x47: {  	_ =	shalt  }
0x48: {  	_ =	shalt  }
0x49: {  	_ =	shalt  }
0x4a: {  	_ =	shalt  }
0x4b: {  	_ =	shalt  }
0x4c: {  	_ =	shalt  }
0x4d: {  	_ =	shalt  }
0x4e: {  	_ =	shalt  }
0x4f: {  	_ =	shalt  }
0x50: {  	_ =	shalt  }
0x51: {  	_ =	shalt  }
0x52: {  	_ =	shalt  }
0x53: {  	_ =	shalt  }
0x54: {  	_ =	shalt  }
0x55: {  	_ =	shalt  }
0x56: {  	_ =	shalt  }
0x57: {  	_ =	shalt  }
0x58: {  	_ =	shalt  }
0x59: {  	_ =	shalt  }
0x5a: {  	_ =	shalt  }
0x5b: {  	_ =	shalt  }
0x5c: {  	_ =	shalt  }
0x5d: {  	_ =	shalt  }
0x5e: {  	_ =	shalt  }
0x5f: {  	_ =	shalt  }
0x60: {  	_ =	shalt  }
0x61: {  	_ =	shalt  }
0x62: {  	_ =	shalt  }
0x63: {  	_ =	shalt  }
0x64: {  	_ =	shalt  }
0x65: {  	_ =	shalt  }
0x66: {  	_ =	shalt  }
0x67: {  	_ =	shalt  }
0x68: {  	_ =	shalt  }
0x69: {  	_ =	shalt  }
0x6a: {  	_ =	shalt  }
0x6b: {  	_ =	shalt  }
0x6c: {  	_ =	shalt  }
0x6d: {  	_ =	shalt  }
0x6e: {  	_ =	shalt  }
0x6f: {  	_ =	shalt  }
0x70: {  	_ =	shalt  }
0x71: {  	_ =	shalt  }
0x72: {  	_ =	shalt  }
0x73: {  	_ =	shalt  }
0x74: {  	_ =	shalt  }
0x75: {  	_ =	shalt  }
0x76: {  	_ =	shalt  }
0x77: {  	_ =	shalt  }
0x78: {  	_ =	shalt  }
0x79: {  	_ =	shalt  }
0x7a: {  	_ =	shalt  }
0x7b: {  	_ =	shalt  }
0x7c: {  	_ =	shalt  }
0x7d: {  	_ =	shalt  }
0x7e: {  	_ =	shalt  }
0x7f: {  	_ =	shalt  }
0x80: {  	_ =	shalt  }
0x81: {  	_ =	shalt  }
0x82: {  	_ =	shalt  }
0x83: {  	_ =	shalt  }
0x84: {  	_ =	shalt  }
0x85: {  	_ =	shalt  }
0x86: {  	_ =	shalt  }
0x87: {  	_ =	shalt  }
.Lfunc_end0:
.L_simem_size_0:
called_computation.1_lowered:
.L_overlay_start_0:
0x88: {  	s2 =	sld [smem:$0x3FD9]  }
0x89: {  	s3 =	sld [smem:$0x3FFE];
	_ =	sdelay $0x1  }
0x8a: {  	s1 =	srdreg.scid  }
0x8b: {  	s0 =	sand.u32 $0x1, s1  }
0x8c: {  	s16 =	sshll.u32 s0, $0xA;
	s2 =	sadd.s32 s3, s2  }
0x8d: {  	s2 =	sadd.s32 s2, s16  }
0x8e: {  	[smem:$0x3FC2] =	sst s2  }
0x8f: {  	_ = 	snop  }
0x90: {  	(tm) =	ssettm $0x1  }
0x91: {  	s17 =	sld [smem:$0x3FFB];
	_ =	sdelay $0x3  }
0x92: {  	_ =	strace s17  }
0x93: {  	s2 =	sld [smem:$0x3FFC];
	_ =	sdelay $0x3  }
0x94: {  	_ =	strace s2  }
0x95: {  	s2 =	sld [smem:$0x3FFD];
	_ =	sdelay $0x3  }
0x96: {  	_ =	strace s2  }
0x97: {  	_ =	strace $0x8FFFFFFF  }
0x98: {  	s18 =	sld [smem:$0x3FDB];
	_ =	sdelay $0x1  }
0x99: {  	s19 =	simm.s32 $_scs_section_size  }
0x9a: {  	s4 =	simm.s32 $_size__tile_overlayer_lowered;
	s5 =	simm.s32 $_tile_overlayer_lowered  }
0x9b: {  	s22 =	simm.s32 $0x1BFF;
	s21 =	sshll.u32 s5, $0x1;
	s2 =	sadd.s32 s19, s18  }
0x9c: {  	s6 =	simm.s32 $0x0;
	s20 =	sshll.u32 s4, $0x1;
	s4 =	sadd.s32 s21, s2  }
0x9d: {  	[timem:s6], [sflag:s22] =	dma.local [hbm:s4], s20  }
0x9e: {  	_ =	swait.ge [sflag:s22], s20  }
0x9f: {  	s3 =	ssub.s32 $0x0, s20;
	[sflag:s22] =	ssyncset.done $0x0  }
0xa0: {  	[sflag:s22] =	ssyncadd.s32 s3;
	_ =	sdelay $0x1  }
0xa1: {  	s23 =	simm.s32 $0x1B8B  }
0xa2: {  	_ =	swait.ge [sflag:s23], $0x1  }
0xa3: {  	[sflag:s23] =	ssyncset.done $0x0  }
0xa4: {  	s25 =	simm.s32 $0x1B8E;
	s24 =	sld [smem:$0x3FFE];
	[sflag:s23] =	ssyncadd.s32 $0xFFFFFFFF  }
0xa5: {  	s26 =	simm.s32 $execute0_lowered;
	[smem:$0x3FD2] =	sst s25  }
0xa6: {  	s4 =	sshll.u32 s26, $0x1;
	_ =	strace $0x80000046;
	[dreg:$0x1] =	wrdreg $0xFFFFFFFF  }
0xa7: {  	s28 =	simm.s32 $_size_execute0_lowered;
	s2 =	sadd.s32 s2, s4;
	[dreg:$0x0] =	wrdreg $0x0  }
0xa8: {  	s4 =	sshll.u32 s28, $0x1;
	[dreg:$0x2] =	wrdreg s2  }
0xa9: {  	[dreg:$0x3] =	wrdreg s4  }
0xaa: {  	[dreg:$0x4] =	wrdreg $0xC0  }
0xab: {  	_ =	task [dreg:s6], $0x5FFFF  }
0xac: {  	[dreg:$0x1] =	wrdreg $0xFFFFFFFF  }
0xad: {  	[dreg:$0x0] =	wrdreg $0x60  }
0xae: {  	[dreg:$0x2] =	wrdreg s24  }
0xaf: {  	[dreg:$0x3] =	wrdreg $0x9  }
0xb0: {  	_ =	task.clear_ibuf [dreg:s6], $0x4FFFF;
	_ =	strace $0x90000046  }
0xb1: {  	s29 =	simm.s32 $0x9;
	_ =	strace $0x80000048  }
0xb2: {  	_ =	swait.ge [sflag:s29], $0x1  }
0xb3: {  	[sflag:s29] =	ssyncadd.s32 $0xFFFFFFFF  }
0xb4: {  	_ =	strace $0x90000048  }
0xb5: {  	_ =	sfence  }
0xb6: {  	s30 =	sld [smem:$0x0];
	_ =	sdelay $0x2  }
0xb7: {  	s31 =	sshll.u32 s1, $0xD;
	s1 =	sshrl.u32 s1, $0x2  }
0xb8: {  	s3 =	sand.u32 $0x4000, s31;
	s1 =	sadd.s32 s1, s30  }
0xb9: {  	s0 =	sor.u32 s3, s0;
	s1 =	sshll.u32 s1, $0x11  }
0xba: {  	s0 =	sor.u32 s1, s0  }
0xbb: {  	s0 =	sadd.s32 $0x8F2B, s0  }
0xbc: {  	[sflag:s0] =	ssyncadd.remote.s32 $0x1  }
0xbd: {  	_ =	sfence.sel $0xFFFF  }
0xbe: {  	[dreg:$0x0] =	wrdreg $0xFFFFFFFF;
	(pc) =	sbr.abs _section_cstart, $3  }
0xbf: {  	[dreg:$0x1] =	wrdreg $0xFFFFFFFF  }
0xc0: {  	_ =	task.clear_ibuf [dreg:s6], $0x2FFFF;
	_ =	strace $0x9FFFFFFF  }
0xc1: {  	(tm) =	ssettm $0x7FFFFFFF  }
tec
execute0_lowered:
.L_overlay_start_1:
0x0: {  	(tag) =	ssettag $0x1  }
0x1: {  	s0 =	srdreg.scid;
	s1 =	stileid.u32  }
0x2: {  	s6 =	rddreg [dreg:$0x0];
	s2 =	simm.s32 $0x0;
	s11 =	simm.s32 $0x5  }
0x3: {  	s13 =	simm.s32 $0x1C800;
	s14 =	simm.s32 $0x1CE80;
	s15 =	simm.s32 $0x200  }
0x4: {  	s16 =	simm.s32 $0xC800;
	s17 =	simm.s32 $0x14800;
	s18 =	simm.s32 $0x1  }
0x5: {  	s19 =	simm.s32 $0x40;
	s20 =	simm.s32 $0x80;
	s21 =	simm.s32 $0x3  }
0x6: {  	s22 =	simm.s32 $0x2;
	s23 =	simm.s32 $0x4;
	s24 =	simm.s32 $0x0  }
0x7: {  	s30 =	simm.s32 $0x0;
	s0 =	sand.u32 $0x1, s0;
	s1 =	sshll.u32 s1, $0x1  }
0x8: {  	[smem:$0x7FF] =	sst s2;
	s4 =	sadd.s32 $0xA00, s6;
	s31 =	sadd.s32 $0xC00, s6  }
0x9: {  	s1 =	sor.u32 s0, s1;
	_ =	strace $0x80000047;
	s0 =	ssub.s32 $0x2, s0  }
0xa: {  	v53 =	vlaneseq.u32;
	[dreg:$0x2] =	wrdreg s4;
	s3 =	smul.u32 $0xC80, s1;
	s7 =	sshrl.u32 s0, $0x1  }
0xb: {  	v0 =	vmul.u32 $0x40, v53;
	[dreg:$0x3] =	wrdreg s31;
	s9 =	smul.u32 $0x320000, s1;
	s0 =	ssub.s32 s0, s7  }
0xc: {  	s8 =	sadd.s32 s3, s6;
	s3 =	sadd.s32 $0x32E00, s6;
	s6 =	sadd.s32 $0xF6400, s6  }
0xd: {  	[tilespmem:$0x1FFF0] =	vst v0;
	s10 =	smax.u32 s0, $0x1;
	s7 =	sadd.s32 $0x19E00, s8;
	s8 =	sadd.s32 $0xE00, s8  }
.LBB2_1:
0xe: {  	[tilespmem:s2], [sflag:$0x5] =	stream.linear.gather [hbm4b:s7+s2], $0x6400, $0x38;
	[tilespmem:$0x1DB80] =	vst v63  }
0xf: {  	_ =	swait.ge [sflag:s11], $0x6400  }
0x10: {  	[sflag:s11] =	ssyncset.done $0x0  }
0x11: {  	s0 =	simm.s32 $0x6400;
	[sflag:s11] =	ssyncadd.s32 $0xFFFF9C00  }
0x12: {  	[tilespmem:s0], [sflag:$0x5] =	stream.linear.gather [hbm4b:s8+s2], $0x6400, $0x38;
	[tilespmem:$0x1DB80] =	vst v63  }
0x13: {  	_ =	swait.ge [sflag:s11], $0x6400  }
0x14: {  	[sflag:s11] =	ssyncset.done $0x0  }
0x15: {  	s29 =	rddreg [dreg:$0x2];
	[sflag:s11] =	ssyncadd.s32 $0xFFFF9C00  }
0x16: {  	[tilespmem:s13], [sflag:$0x5] =	stream.linear.gather [hbm4b:s29+s2], $0x680, $0x38;
	[tilespmem:$0x1DB80] =	vst v63  }
0x17: {  	_ =	swait.ge [sflag:s11], $0x680  }
0x18: {  	[sflag:s11] =	ssyncset.done $0x0  }
0x19: {  	s31 =	rddreg [dreg:$0x3];
	[sflag:s11] =	ssyncadd.s32 $0xFFFFF980  }
0x1a: {  	[tilespmem:s14], [sflag:$0x5] =	stream.linear.gather [hbm4b:s31+s2], $0xD00, $0x38;
	[tilespmem:$0x1DB80] =	vst v63  }
0x1b: {  	_ =	swait.ge [sflag:s11], $0xD00  }
0x1c: {  	[sflag:s11] =	ssyncset.done $0x0  }
0x1d: {  	s25 =	simm.s32 $0x0;
	[sflag:s11] =	ssyncadd.s32 $0xFFFFF300  }
0x1e: {  	[tilespmem:s16], [sflag:$0x1] =	stream.indirect.gather [hbm4b:s3+s15], $0x40, s2, s15, $0xb8;
	[tilespmem:$0x1DB80] =	vst v63  }
.LBB2_2:
0x1f: {  	p0 =	seq.s32 s25, $0x0  }
0x20: {  	s0 =	sshll.u32 s25, $0x1;
	s1 =	simm.s32 @!p0 $0x4  }
0x21: {  	s26 =	sor.u32 $0x1, s0;
	_ =	swait.ge @!p0 [sflag:s1], $0x8000  }
0x22: {  	s29 =	sshll.u32 s25, $0xC;
	s0 =	sshll.u32 s26, $0xB;
	[sflag:s1] =	ssyncset.done @!p0 $0x0  }
0x23: {  	s12 =	sshrl.u32 s29, $0x2;
	s28 =	sshrl.u32 s0, $0x2;
	[sflag:s1] =	ssyncadd.s32 @!p0 $0xFFFF8000  }
0x24: {  	[tilespmem:s17], [sflag:$0x2] =	stream.indirect.gather [hbm4b:s3+s15], $0x40, s28, s15, $0xb8;
	[tilespmem:$0x1DB80] =	vst v63  }
0x25: {  	s0 =	sadd.s32 $0x6400, s12;
	_ =	swait.ge [sflag:s18], $0x8000  }
0x26: {  	v0 =	vmov s0;
	[sflag:s18] =	ssyncset.done $0x0  }
0x27: {  	s31 =	simm.s32 $0x0;
	[tilespmem:$0x1FFE0] =	vst v0;
	[sflag:s18] =	ssyncadd.s32 $0xFFFF8000  }
.LBB2_3:
0x28: {  	v0 =	vld [tilespmem:$0x1FFE0];
	_ =	sdelay $0x6  }
0x29: {  	s0 =	sshll.u32 s31, $0x4  }
0x2a: {  	v4 =	vld.idx.msk [tilespmem:v0+s0+$0x0 ss:$0x1], $0xffff  }
0x2b: {  	v5 =	vadd.s32 s30, v53  }
0x2c: {  	s1 =	simm.s32 $0x1;
	v6 =	vand.u32 $0x7, v5  }
0x2d: {  	s5 =	simm.s32 $0x2;
	s12 =	simm.s32 $0x3;
	v7 =	vadd.s32 s1, v53;
	v8 =	vand.u32 $0x8, v5;
	v5 =	vmov s0  }
0x2e: {  	v18 =	vadd.s32 s5, v53;
	v22 =	vadd.s32 s12, v53;
	v9 =	vand.u32 $0x7, v7  }
0x2f: {  	v12 =	vand.u32 $0x8, v7;
	v5 =	vshll.u32 v5, $0x6;
	v1 =	vand.u32 $0xFFFFFFC0, v4  }
0x30: {  	v19 =	vor.u32 $0x10, v8;
	v4 =	vshll.u32 v4, $0x6;
	v11 =	vor.u32 v1, v6  }
0x31: {  	v4 =	vand.u32 $0xFC0, v4;
	v13 =	vor.u32 v1, v9;
	v10 =	vor.u32 v8, v11  }
0x32: {  	v20 =	vand.u32 $0x7, v18;
	v7 =	vor.u32 v12, v13;
	v14 =	vor.u32 v4, v9  }
0x33: {  	v57 =	vld [tilespmem:$0x1FFF0];
	v18 =	vand.u32 $0x8, v18;
	v15 =	vor.u32 v4, v6;
	v16 =	vor.u32 v12, v14  }
0x34: {  	v25 =	vand.u32 $0x7, v22;
	v34 =	vand.u32 $0x8, v22;
	v17 =	vor.u32 v8, v15  }
0x35: {  	v50 =	vor.u32 $0x20, v8;
	v62 =	vor.u32 $0x30, v8;
	v36 =	vor.u32 v1, v25  }
0x36: {  	v31 =	vor.u32 $0x10, v34;
	v33 =	vor.u32 v4, v25;
	v28 =	vor.u32 v34, v36;
	v10 =	vld.idx.msk [tilespmem:v10+s13+$0x0], $0xffff  }
0x37: {  	v43 =	vor.u32 $0x20, v34;
	v23 =	vor.u32 v1, v20;
	v29 =	vor.u32 v34, v33;
	v7 =	vld.idx.msk [tilespmem:v7+s13+$0x0], $0xffff  }
0x38: {  	v5 =	vor.u32 v57, v5;
	v32 =	vor.u32 v4, v20;
	v24 =	vor.u32 v18, v23;
	v16 =	vld.idx.msk [tilespmem:v16+s14+$0x0], $0xffff  }
0x39: {  	v47 =	vor.u32 $0x30, v18;
	v9 =	vor.u32 v5, v9;
	v26 =	vor.u32 v18, v32;
	v17 =	vld.idx.msk [tilespmem:v17+s14+$0x0], $0xffff  }
0x3a: {  	v35 =	vor.u32 v5, v6;
	v37 =	vor.u32 v5, v20;
	v6 =	vor.u32 v12, v9;
	[tilespmem:$0x1FFD0] =	vst v1  }
0x3b: {  	v46 =	vor.u32 v5, v25;
	v27 =	vor.u32 v8, v35;
	v38 =	vor.u32 v18, v37;
	v42 =	vld.idx.msk [tilespmem:v28+s13+$0x0], $0xffff  }
0x3c: {  	v39 =	vor.u32 v19, v35;
	v49 =	vor.u32 v34, v46;
	v21 =	vor.u32 v19, v11;
	v45 =	vld.idx.msk [tilespmem:v29+s14+$0x0], $0xffff  }
0x3d: {  	v30 =	vor.u32 v19, v15;
	v7 =	vadd.f32 v16, v7;
	v16 =	vld.idx.msk [tilespmem:v24+s13+$0x0], $0xffff;
	v24 =	vor.u32 $0x10, v12  }
0x3e: {  	v20 =	vor.u32 v31, v36;
	v10 =	vadd.f32 v17, v10;
	v17 =	vld.idx.msk [tilespmem:v26+s14+$0x0], $0xffff;
	v40 =	vor.u32 v24, v14  }
0x3f: {  	v58 =	vor.u32 $0x10, v18;
	v25 =	vor.u32 v31, v46;
	[tilespmem:v6+s16+$0x0] =	vst.idx.add.f32.msk $0xffff, v7;
	v7 =	vor.u32 v24, v13  }
0x40: {  	v59 =	vor.u32 v58, v23;
	v22 =	vor.u32 v31, v33;
	v19 =	vor.u32 $0x20, v18;
	[tilespmem:v27+s16+$0x0] =	vst.idx.add.f32.msk $0xffff, v10  }
0x41: {  	v52 =	vor.u32 v58, v32;
	v8 =	vor.u32 v47, v37;
	v28 =	vor.u32 v19, v32;
	v48 =	vld.idx.msk [tilespmem:v21+s13+$0x0], $0xffff  }
0x42: {  	v29 =	vor.u32 v50, v15;
	v15 =	vor.u32 v62, v15;
	v10 =	vor.u32 $0x20, v12;
	v51 =	vld.idx.msk [tilespmem:v30+s14+$0x0], $0xffff  }
0x43: {  	v44 =	vor.u32 v10, v13;
	v6 =	vor.u32 v10, v9;
	v31 =	vor.u32 v10, v14;
	v10 =	vld.idx.msk [tilespmem:v40+s14+$0x0], $0xffff  }
0x44: {  	v26 =	vor.u32 v43, v33;
	v41 =	vor.u32 v24, v9;
	v18 =	vadd.f32 v45, v42;
	v60 =	vld.idx.msk [tilespmem:v7+s13+$0x0], $0xffff  }
0x45: {  	v27 =	vor.u32 v19, v23;
	v19 =	vor.u32 v19, v37;
	v17 =	vadd.f32 v17, v16  }
0x46: {  	v61 =	vor.u32 $0x30, v12;
	v24 =	vor.u32 v43, v36;
	v12 =	vor.u32 v43, v46;
	[tilespmem:v49+s16+$0x0] =	vst.idx.add.f32.msk $0xffff, v18  }
0x47: {  	v30 =	vor.u32 v50, v11;
	[tilespmem:v38+s16+$0x0] =	vst.idx.add.f32.msk $0xffff, v17;
	v18 =	vadd.f32 v51, v48  }
0x48: {  	v21 =	vor.u32 v47, v23;
	v23 =	vor.u32 v61, v13;
	v7 =	vor.u32 v47, v32;
	v32 =	vld.idx.msk [tilespmem:v59+s13+$0x0], $0xffff  }
0x49: {  	v13 =	vor.u32 v61, v14;
	[tilespmem:v39+s16+$0x0] =	vst.idx.add.f32.msk $0xffff, v18;
	v18 =	vor.u32 $0x30, v34;
	v63 =	vadd.f32 v10, v60  }
0x4a: {  	v9 =	vor.u32 v61, v9;
	v16 =	vor.u32 v50, v35;
	v34 =	vld.idx.msk [tilespmem:v52+s14+$0x0], $0xffff;
	v14 =	vor.u32 v18, v36  }
0x4b: {  	v17 =	vor.u32 v18, v33;
	v33 =	vor.u32 v58, v37;
	[tilespmem:v41+s16+$0x0] =	vst.idx.add.f32.msk $0xffff, v63  }
0x4c: {  	s1 =	simm.s32 $0x4;
	v10 =	vor.u32 v18, v46;
	v18 =	vor.u32 v62, v11;
	v11 =	vor.u32 v62, v35;
	v35 =	vld.idx.msk [tilespmem:v44+s13+$0x0], $0xffff  }
.LBB2_4:
0x4d: {  	v22 =	vld.idx.msk [tilespmem:v22+s14+$0x0], $0xffff  }
0x4e: {  	v0 =	vld [tilespmem:$0x1FFD0]  }
0x4f: {  	v20 =	vld.idx.msk [tilespmem:v20+s13+$0x0], $0xffff  }
0x50: {  	v31 =	vld.idx.msk [tilespmem:v31+s14+$0x0], $0xffff  }
0x51: {  	v36 =	vadd.s32 s1, v53;
	s12 =	sadd.s32 $0x1, s1;
	v29 =	vld.idx.msk [tilespmem:v29+s14+$0x0], $0xffff;
	v34 =	vadd.f32 v34, v32  }
0x52: {  	v30 =	vld.idx.msk [tilespmem:v30+s13+$0x0], $0xffff;
	v37 =	vand.u32 $0x7, v36;
	v38 =	vadd.s32 s12, v53;
	v36 =	vand.u32 $0x8, v36  }
0x53: {  	v39 =	vand.u32 $0x7, v38;
	v38 =	vand.u32 $0x8, v38;
	v32 =	vor.u32 v0, v37;
	[tilespmem:v33+s16+$0x0] =	vst.idx.add.f32.msk $0xffff, v34  }
0x54: {  	v42 =	vor.u32 v0, v39;
	v20 =	vadd.f32 v22, v20;
	v40 =	vor.u32 v36, v32;
	v27 =	vld.idx.msk [tilespmem:v27+s13+$0x0], $0xffff  }
0x55: {  	v44 =	vor.u32 v4, v39;
	v43 =	vor.u32 v38, v42;
	v28 =	vld.idx.msk [tilespmem:v28+s14+$0x0], $0xffff  }
0x56: {  	s5 =	smov.u32 s1;
	v47 =	vor.u32 v38, v44;
	v34 =	vor.u32 v4, v37;
	[tilespmem:v25+s16+$0x0] =	vst.idx.add.f32.msk $0xffff, v20  }
0x57: {  	s4 =	sadd.s32 $0x3, s1;
	s12 =	sadd.s32 $0x2, s5;
	v46 =	vor.u32 v36, v34;
	v25 =	vld.idx.msk [tilespmem:v26+s14+$0x0], $0xffff  }
0x58: {  	v45 =	vadd.s32 s4, v53;
	v48 =	vadd.s32 s12, v53;
	v24 =	vld.idx.msk [tilespmem:v24+s13+$0x0], $0xffff  }
0x59: {  	v50 =	vand.u32 $0x7, v45;
	v45 =	vand.u32 $0x8, v45;
	v49 =	vand.u32 $0x7, v48;
	v40 =	vld.idx.msk [tilespmem:v40+s13+$0x0], $0xffff  }
0x5a: {  	v52 =	vor.u32 v4, v50;
	v59 =	vor.u32 $0x10, v38;
	v53 =	vor.u32 v5, v49;
	v26 =	vld.idx.msk [tilespmem:v43+s13+$0x0], $0xffff  }
0x5b: {  	v55 =	vor.u32 v45, v52;
	v31 =	vadd.f32 v31, v35;
	v27 =	vadd.f32 v28, v27;
	v28 =	vld.idx.msk [tilespmem:v47+s14+$0x0], $0xffff  }
0x5c: {  	v62 =	vor.u32 v59, v44;
	v51 =	vor.u32 v0, v49;
	v29 =	vadd.f32 v29, v30;
	v46 =	vld.idx.msk [tilespmem:v46+s14+$0x0], $0xffff  }
0x5d: {  	v58 =	vor.u32 $0x10, v45;
	v54 =	vor.u32 v0, v50;
	v49 =	vor.u32 v4, v49;
	[tilespmem:v6+s16+$0x0] =	vst.idx.add.f32.msk $0xffff, v31  }
0x5e: {  	v48 =	vand.u32 $0x8, v48;
	v22 =	vor.u32 v58, v52;
	v43 =	vor.u32 v45, v54;
	[tilespmem:v16+s16+$0x0] =	vst.idx.add.f32.msk $0xffff, v29  }
0x5f: {  	v39 =	vor.u32 v5, v39;
	v50 =	vor.u32 v5, v50;
	v30 =	vor.u32 v48, v51;
	v2 =	vld.idx.msk [tilespmem:v23+s13+$0x0], $0xffff  }
0x60: {  	v41 =	vor.u32 $0x10, v36;
	v47 =	vor.u32 v48, v49;
	v0 =	vadd.f32 v25, v24;
	[tilespmem:v19+s16+$0x0] =	vst.idx.add.f32.msk $0xffff, v27  }
0x61: {  	v33 =	vor.u32 v41, v32;
	v37 =	vor.u32 v5, v37;
	v35 =	vor.u32 v38, v39;
	v63 =	vld.idx.msk [tilespmem:v21+s13+$0x0], $0xffff  }
0x62: {  	v1 =	vor.u32 $0x20, v45;
	v61 =	vor.u32 v59, v42;
	v56 =	vor.u32 v36, v37;
	[tilespmem:v12+s16+$0x0] =	vst.idx.add.f32.msk $0xffff, v0  }
0x63: {  	v57 =	vor.u32 v41, v34;
	v20 =	vor.u32 v58, v54;
	v25 =	vor.u32 v58, v50;
	v43 =	vld.idx.msk [tilespmem:v43+s13+$0x0], $0xffff  }
0x64: {  	v58 =	vor.u32 $0x20, v36;
	v24 =	vor.u32 v1, v54;
	v23 =	vadd.f32 v46, v40;
	v46 =	vld.idx.msk [tilespmem:v30+s13+$0x0], $0xffff  }
0x65: {  	v29 =	vor.u32 v58, v34;
	v16 =	vor.u32 v58, v37;
	v26 =	vadd.f32 v28, v26;
	v47 =	vld.idx.msk [tilespmem:v47+s14+$0x0], $0xffff  }
0x66: {  	v21 =	vor.u32 $0x20, v38;
	v12 =	vor.u32 v1, v50;
	v30 =	vor.u32 v58, v32;
	v58 =	vld.idx.msk [tilespmem:v55+s14+$0x0], $0xffff  }
0x67: {  	v38 =	vor.u32 $0x30, v38;
	v6 =	vor.u32 v21, v39;
	v31 =	vor.u32 v21, v44;
	[tilespmem:v35+s16+$0x0] =	vst.idx.add.f32.msk $0xffff, v26  }
0x68: {  	v40 =	vor.u32 v21, v42;
	v35 =	vor.u32 $0x30, v48;
	v26 =	vor.u32 v1, v52;
	[tilespmem:v56+s16+$0x0] =	vst.idx.add.f32.msk $0xffff, v23  }
0x69: {  	v21 =	vor.u32 v35, v51;
	v0 =	vor.u32 v35, v49;
	v1 =	vor.u32 v35, v53;
	v35 =	vld.idx.msk [tilespmem:v17+s14+$0x0], $0xffff  }
0x6a: {  	v36 =	vor.u32 $0x30, v36;
	v23 =	vor.u32 v38, v42;
	v42 =	vor.u32 v38, v44;
	v44 =	vld.idx.msk [tilespmem:v18+s13+$0x0], $0xffff  }
0x6b: {  	v18 =	vor.u32 v36, v32;
	v32 =	vor.u32 v36, v34;
	v34 =	vld.idx.msk [tilespmem:v13+s14+$0x0], $0xffff  }
0x6c: {  	v59 =	vor.u32 v59, v39;
	v41 =	vor.u32 v41, v37;
	v36 =	vor.u32 v36, v37;
	v37 =	vld.idx.msk [tilespmem:v14+s13+$0x0], $0xffff  }
0x6d: {  	v3 =	vor.u32 v45, v50;
	v38 =	vor.u32 v38, v39;
	v39 =	vor.u32 $0x30, v45;
	v13 =	vmovc v42;
	v42 =	vld.idx.msk [tilespmem:v33+s13+$0x0], $0xffff  }
0x6e: {  	v54 =	vor.u32 v39, v54;
	v17 =	vor.u32 v39, v52;
	v39 =	vor.u32 v39, v50;
	v50 =	vld.idx.msk [tilespmem:v57+s14+$0x0], $0xffff  }
0x6f: {  	v60 =	vor.u32 v48, v53;
	v56 =	vor.u32 $0x10, v48;
	v52 =	vld.idx.msk [tilespmem:v7+s14+$0x0], $0xffff  }
0x70: {  	v57 =	vor.u32 v56, v51;
	v61 =	vld.idx.msk [tilespmem:v61+s13+$0x0], $0xffff  }
0x71: {  	v19 =	vor.u32 $0x20, v48;
	v48 =	vor.u32 v56, v49;
	v7 =	vmovc v0;
	v0 =	vld.idx.msk [tilespmem:v62+s14+$0x0], $0xffff;
	v43 =	vadd.f32 v58, v43  }
0x72: {  	v58 =	vld.idx.msk [tilespmem:v15+s14+$0x0], $0xffff;
	v62 =	vadd.f32 v47, v46  }
0x73: {  	[tilespmem:v3+s16+$0x0] =	vst.idx.add.f32.msk $0xffff, v43  }
0x74: {  	[tilespmem:v60+s16+$0x0] =	vst.idx.add.f32.msk $0xffff, v62  }
0x75: {  	v15 =	vmov v32;
	v2 =	vadd.f32 v34, v2;
	v32 =	vld.idx.msk [tilespmem:v57+s13+$0x0], $0xffff  }
0x76: {  	v3 =	vadd.f32 v50, v42;
	v34 =	vld.idx.msk [tilespmem:v48+s14+$0x0], $0xffff  }
0x77: {  	v35 =	vadd.f32 v35, v37;
	[tilespmem:v9+s16+$0x0] =	vst.idx.add.f32.msk $0xffff, v2  }
0x78: {  	p0 =	slt.u32 s1, $0xC;
	v63 =	vadd.f32 v52, v63;
	[tilespmem:v41+s16+$0x0] =	vst.idx.add.f32.msk $0xffff, v3  }
.Ltmp0:
0x79: {  	v0 =	vadd.f32 v0, v61;
	[tilespmem:v10+s16+$0x0] =	vst.idx.add.f32.msk $0xffff, v35;
	(pc) =	sbr.rel @p0 .LBB2_4-.Ltmp0, $4  }
0x7a: {  	v3 =	vadd.f32 v58, v44;
	[tilespmem:v8+s16+$0x0] =	vst.idx.add.f32.msk $0xffff, v63  }
0x7b: {  	v27 =	vor.u32 v19, v51;
	v28 =	vor.u32 v19, v49;
	[tilespmem:v59+s16+$0x0] =	vst.idx.add.f32.msk $0xffff, v0  }
0x7c: {  	s0 =	sadd.s32 $0x4, s1;
	v19 =	vor.u32 v19, v53;
	v33 =	vor.u32 v56, v53;
	v53 =	vlaneseq.u32;
	[tilespmem:v11+s16+$0x0] =	vst.idx.add.f32.msk $0xffff, v3  }
0x7d: {  	s1 =	smov.u32 s0;
	v14 =	vmovc v54;
	v9 =	vmovc v38;
	v10 =	vmov v39;
	v8 =	vmov v1;
	v11 =	vmov v36;
	v35 =	vld.idx.msk [tilespmem:v40+s13+$0x0], $0xffff  }
0x7e: {  	_ =	sdelay $0x3  }
0x7f: {  	v1 =	vld.idx.msk [tilespmem:v22+s14+$0x0], $0xffff  }
0x80: {  	v2 =	vld.idx.msk [tilespmem:v20+s13+$0x0], $0xffff  }
0x81: {  	v4 =	vld.idx.msk [tilespmem:v31+s14+$0x0], $0xffff  }
0x82: {  	v5 =	vld.idx.msk [tilespmem:v29+s14+$0x0], $0xffff  }
0x83: {  	v0 =	vadd.f32 v34, v32;
	v58 =	vld.idx.msk [tilespmem:v30+s13+$0x0], $0xffff;
	_ =	sdelay $0x1  }
0x84: {  	[tilespmem:v33+s16+$0x0] =	vst.idx.add.f32.msk $0xffff, v0  }
0x85: {  	v0 =	vld.idx.msk [tilespmem:v27+s13+$0x0], $0xffff;
	v1 =	vadd.f32 v1, v2  }
0x86: {  	v3 =	vld.idx.msk [tilespmem:v28+s14+$0x0], $0xffff;
	v4 =	vadd.f32 v4, v35  }
0x87: {  	v2 =	vadd.f32 v5, v58;
	[tilespmem:v25+s16+$0x0] =	vst.idx.add.f32.msk $0xffff, v1  }
0x88: {  	[tilespmem:v6+s16+$0x0] =	vst.idx.add.f32.msk $0xffff, v4  }
0x89: {  	[tilespmem:v16+s16+$0x0] =	vst.idx.add.f32.msk $0xffff, v2  }
0x8a: {  	v1 =	vld.idx.msk [tilespmem:v26+s14+$0x0], $0xffff  }
0x8b: {  	v59 =	vld.idx.msk [tilespmem:v24+s13+$0x0], $0xffff  }
0x8c: {  	v4 =	vld.idx.msk [tilespmem:v23+s13+$0x0], $0xffff  }
0x8d: {  	v2 =	vld.idx.msk [tilespmem:v18+s13+$0x0], $0xffff  }
0x8e: {  	v0 =	vadd.f32 v3, v0;
	v60 =	vld.idx.msk [tilespmem:v13+s14+$0x0], $0xffff  }
0x8f: {  	v63 =	vld.idx.msk [tilespmem:v15+s14+$0x0], $0xffff  }
0x90: {  	[tilespmem:v19+s16+$0x0] =	vst.idx.add.f32.msk $0xffff, v0  }
0x91: {  	v0 =	vld.idx.msk [tilespmem:v21+s13+$0x0], $0xffff;
	v1 =	vadd.f32 v1, v59  }
0x92: {  	v62 =	vld.idx.msk [tilespmem:v7+s14+$0x0], $0xffff  }
0x93: {  	[tilespmem:v12+s16+$0x0] =	vst.idx.add.f32.msk $0xffff, v1  }
0x94: {  	v1 =	vld.idx.msk [tilespmem:v17+s14+$0x0], $0xffff  }
0x95: {  	v61 =	vld.idx.msk [tilespmem:v14+s13+$0x0], $0xffff  }
0x96: {  	s31 =	sadd.s32 $0x1, s31  }
0x97: {  	p0 =	sne.s32 s31, $0x20;
	v3 =	vadd.f32 v60, v4  }
.Ltmp1:
0x98: {  	v2 =	vadd.f32 v63, v2;
	(pc) =	sbr.rel @p0 .LBB2_3-.Ltmp1, $4  }
0x99: {  	[tilespmem:v9+s16+$0x0] =	vst.idx.add.f32.msk $0xffff, v3;
	v0 =	vadd.f32 v62, v0  }
0x9a: {  	[tilespmem:v11+s16+$0x0] =	vst.idx.add.f32.msk $0xffff, v2;
	v1 =	vadd.f32 v1, v61  }
0x9b: {  	[tilespmem:v8+s16+$0x0] =	vst.idx.add.f32.msk $0xffff, v0  }
0x9c: {  	[tilespmem:v10+s16+$0x0] =	vst.idx.add.f32.msk $0xffff, v1  }
0x9d: {  	s0 =	sshll.u32 s25, $0x11  }
0x9e: {  	s0 =	sadd.s32 s9, s0  }
0x9f: {  	s0 =	sshrl.u32 s0, $0x3  }
0xa0: {  	s0 =	sadd.s32 s6, s0  }
0xa1: {  	[hbm4b:s0+s19] =	stream.strided.scatter [tilespmem:s16], [sflag:$0x3], $0x8000, s20, s19, $0x38;
	[tilespmem:$0x1DB80] =	vst v63  }
0xa2: {  	p0 =	seq.s32 s25, $0x18;
	_ =	swait.ge [sflag:s21], $0x8000  }
0xa3: {  	s1 =	simm.s32 @!p0 $0x200;
	s0 =	sshrl.u32 @!p0 s29, $0x2;
	[sflag:s21] =	ssyncset.done $0x0  }
0xa4: {  	s4 =	simm.s32 @!p0 $0xC800;
	s0 =	sadd.s32 @!p0 $0x400, s0;
	[sflag:s21] =	ssyncadd.s32 $0xFFFF8000  }
0xa5: {  	[tilespmem:s4], [sflag:$0x1] =	stream.indirect.gather @!p0 [hbm4b:s3+s1], $0x40, s0, s1, $0xb8;
	[tilespmem:$0x1DB80] =	vst v63  }
0xa6: {  	s31 =	sadd.s32 $0x6400, s28;
	_ =	swait.ge [sflag:s22], $0x8000  }
0xa7: {  	v0 =	vmov s31;
	[sflag:s22] =	ssyncset.done $0x0  }
0xa8: {  	s28 =	simm.s32 $0x0;
	s29 =	simm.s32 $0x0;
	[tilespmem:$0x1FFC0] =	vst v0;
	[sflag:s22] =	ssyncadd.s32 $0xFFFF8000  }
.LBB2_7:
0xa9: {  	v0 =	vld [tilespmem:$0x1FFC0];
	_ =	sdelay $0x6  }
0xaa: {  	s0 =	sshll.u32 s29, $0x4  }
0xab: {  	v0 =	vld.idx.msk [tilespmem:v0+s0+$0x0 ss:$0x1], $0xffff;
	_ =	sdelay $0x1  }
0xac: {  	v1 =	vadd.s32 s28, v53  }
0xad: {  	s1 =	simm.s32 $0x1;
	s12 =	simm.s32 $0x2;
	v60 =	vand.u32 $0x7, v1  }
0xae: {  	s31 =	simm.s32 $0x3;
	v5 =	vadd.s32 s1, v53;
	v1 =	vand.u32 $0x8, v1;
	v16 =	vadd.s32 s12, v53  }
0xaf: {  	v20 =	vadd.s32 s31, v53;
	v6 =	vand.u32 $0x7, v5;
	v3 =	vand.u32 $0xFFFFFFC0, v0  }
0xb0: {  	v8 =	vand.u32 $0x8, v5;
	v0 =	vshll.u32 v0, $0x6;
	v11 =	vor.u32 v3, v60  }
0xb1: {  	v2 =	vld [tilespmem:$0x1FFF0];
	v4 =	vand.u32 $0xFC0, v0;
	v9 =	vor.u32 v3, v6;
	v7 =	vor.u32 v1, v11  }
0xb2: {  	v5 =	vmov s0;
	v10 =	vor.u32 v8, v9;
	v13 =	vor.u32 v4, v6  }
0xb3: {  	v17 =	vor.u32 $0x10, v1;
	v15 =	vor.u32 v4, v60;
	v12 =	vor.u32 v8, v13  }
0xb4: {  	v18 =	vand.u32 $0x7, v16;
	v16 =	vand.u32 $0x8, v16;
	v14 =	vor.u32 v1, v15  }
0xb5: {  	v24 =	vand.u32 $0x7, v20;
	v32 =	vand.u32 $0x8, v20;
	v5 =	vshll.u32 v5, $0x6  }
0xb6: {  	v47 =	vor.u32 $0x20, v1;
	v5 =	vor.u32 v2, v5;
	v35 =	vor.u32 v3, v24;
	v7 =	vld.idx.msk [tilespmem:v7+s13+$0x0], $0xffff  }
0xb7: {  	v36 =	vor.u32 v5, v18;
	v34 =	vor.u32 v4, v24;
	v28 =	vor.u32 v32, v35;
	v10 =	vld.idx.msk [tilespmem:v10+s13+$0x0], $0xffff  }
0xb8: {  	v21 =	vor.u32 v3, v18;
	v23 =	vor.u32 v4, v18;
	v18 =	vor.u32 v32, v34;
	v12 =	vld.idx.msk [tilespmem:v12+s14+$0x0], $0xffff  }
0xb9: {  	v30 =	vor.u32 $0x10, v32;
	v31 =	vor.u32 $0x20, v16;
	v25 =	vor.u32 v16, v23;
	v14 =	vld.idx.msk [tilespmem:v14+s14+$0x0], $0xffff  }
0xba: {  	v41 =	vor.u32 $0x20, v32;
	v33 =	vor.u32 v5, v6;
	v22 =	vor.u32 v16, v21  }
0xbb: {  	v44 =	vor.u32 $0x30, v16;
	v0 =	vor.u32 v5, v60;
	v6 =	vor.u32 v8, v33;
	[tilespmem:$0x1FFB0] =	vst v3  }
0xbc: {  	v43 =	vor.u32 v5, v24;
	v37 =	vor.u32 v16, v36;
	v26 =	vor.u32 v1, v0;
	v40 =	vld.idx.msk [tilespmem:v28+s13+$0x0], $0xffff  }
0xbd: {  	v46 =	vor.u32 v32, v43;
	v19 =	vor.u32 v17, v11;
	v29 =	vor.u32 v17, v15;
	v18 =	vld.idx.msk [tilespmem:v18+s14+$0x0], $0xffff  }
0xbe: {  	v10 =	vadd.f32 v12, v10;
	v7 =	vadd.f32 v14, v7;
	v14 =	vld.idx.msk [tilespmem:v25+s14+$0x0], $0xffff;
	v25 =	vor.u32 $0x10, v8  }
0xbf: {  	v20 =	vor.u32 v30, v35;
	v27 =	vor.u32 v31, v21;
	v12 =	vld.idx.msk [tilespmem:v22+s13+$0x0], $0xffff;
	v38 =	vor.u32 v25, v13  }
0xc0: {  	v49 =	vor.u32 $0x10, v16;
	v24 =	vor.u32 v41, v35;
	[tilespmem:v6+s17+$0x0] =	vst.idx.add.f32.msk $0xffff, v10;
	v10 =	vor.u32 v25, v9  }
0xc1: {  	v62 =	vor.u32 $0x30, v8;
	v17 =	vor.u32 v17, v0;
	v61 =	vor.u32 v49, v23;
	[tilespmem:v26+s17+$0x0] =	vst.idx.add.f32.msk $0xffff, v7  }
0xc2: {  	v28 =	vor.u32 v31, v23;
	v22 =	vor.u32 v30, v34;
	v39 =	vor.u32 v25, v33;
	v45 =	vld.idx.msk [tilespmem:v19+s13+$0x0], $0xffff  }
0xc3: {  	v16 =	vadd.f32 v18, v40;
	v18 =	vor.u32 v49, v21;
	v21 =	vor.u32 v44, v21;
	v48 =	vld.idx.msk [tilespmem:v29+s14+$0x0], $0xffff  }
0xc4: {  	v7 =	vor.u32 $0x20, v8;
	v25 =	vor.u32 v30, v43;
	v26 =	vor.u32 v41, v34;
	v38 =	vld.idx.msk [tilespmem:v38+s14+$0x0], $0xffff  }
0xc5: {  	v30 =	vor.u32 v47, v11;
	v8 =	vor.u32 v44, v36;
	v42 =	vor.u32 v7, v9;
	v10 =	vld.idx.msk [tilespmem:v10+s13+$0x0], $0xffff  }
0xc6: {  	v6 =	vor.u32 v7, v33;
	v19 =	vor.u32 v31, v36;
	v14 =	vadd.f32 v14, v12  }
0xc7: {  	v29 =	vor.u32 v47, v15;
	v31 =	vor.u32 v7, v13;
	[tilespmem:v46+s17+$0x0] =	vst.idx.add.f32.msk $0xffff, v16  }
0xc8: {  	v63 =	vor.u32 $0x30, v32;
	v7 =	vor.u32 v44, v23;
	[tilespmem:v37+s17+$0x0] =	vst.idx.add.f32.msk $0xffff, v14;
	v45 =	vadd.f32 v48, v45  }
0xc9: {  	v16 =	vor.u32 v47, v0;
	v23 =	vor.u32 v62, v9;
	v13 =	vor.u32 v62, v13;
	v32 =	vld.idx.msk [tilespmem:v18+s13+$0x0], $0xffff  }
0xca: {  	v1 =	vor.u32 $0x30, v1;
	v9 =	vor.u32 v62, v33;
	[tilespmem:v17+s17+$0x0] =	vst.idx.add.f32.msk $0xffff, v45;
	v38 =	vadd.f32 v38, v10  }
0xcb: {  	v15 =	vor.u32 v1, v15;
	v33 =	vor.u32 v49, v36;
	v17 =	vor.u32 v63, v34;
	v34 =	vld.idx.msk [tilespmem:v61+s14+$0x0], $0xffff  }
0xcc: {  	v12 =	vor.u32 v41, v43;
	v14 =	vor.u32 v63, v35;
	[tilespmem:v39+s17+$0x0] =	vst.idx.add.f32.msk $0xffff, v38  }
0xcd: {  	s0 =	simm.s32 $0x4;
	v18 =	vor.u32 v1, v11;
	v11 =	vor.u32 v1, v0;
	v10 =	vor.u32 v63, v43;
	v35 =	vld.idx.msk [tilespmem:v42+s13+$0x0], $0xffff  }
.LBB2_8:
0xce: {  	v22 =	vld.idx.msk [tilespmem:v22+s14+$0x0], $0xffff  }
0xcf: {  	v20 =	vld.idx.msk [tilespmem:v20+s13+$0x0], $0xffff  }
0xd0: {  	v2 =	vld [tilespmem:$0x1FFB0]  }
0xd1: {  	v31 =	vld.idx.msk [tilespmem:v31+s14+$0x0], $0xffff  }
0xd2: {  	v0 =	vadd.s32 s0, v53;
	s4 =	sadd.s32 $0x1, s0;
	v29 =	vld.idx.msk [tilespmem:v29+s14+$0x0], $0xffff;
	v1 =	vadd.f32 v34, v32  }
0xd3: {  	v30 =	vld.idx.msk [tilespmem:v30+s13+$0x0], $0xffff;
	v36 =	vand.u32 $0x7, v0;
	v37 =	vadd.s32 s4, v53  }
0xd4: {  	v0 =	vand.u32 $0x8, v0;
	v38 =	vand.u32 $0x7, v37;
	v34 =	vor.u32 v4, v36;
	[tilespmem:v33+s17+$0x0] =	vst.idx.add.f32.msk $0xffff, v1  }
0xd5: {  	v32 =	vor.u32 v2, v36;
	v44 =	vor.u32 v0, v34;
	v20 =	vadd.f32 v22, v20;
	v27 =	vld.idx.msk [tilespmem:v27+s13+$0x0], $0xffff  }
0xd6: {  	v37 =	vand.u32 $0x8, v37;
	v40 =	vor.u32 v2, v38;
	v52 =	vor.u32 v0, v32;
	v28 =	vld.idx.msk [tilespmem:v28+s14+$0x0], $0xffff  }
0xd7: {  	v41 =	vor.u32 v37, v40;
	[tilespmem:v25+s17+$0x0] =	vst.idx.add.f32.msk $0xffff, v20  }
0xd8: {  	v42 =	vor.u32 v4, v38;
	v25 =	vld.idx.msk [tilespmem:v26+s14+$0x0], $0xffff  }
0xd9: {  	s12 =	smov.u32 s0;
	v45 =	vor.u32 v37, v42;
	v24 =	vld.idx.msk [tilespmem:v24+s13+$0x0], $0xffff  }
0xda: {  	s5 =	sadd.s32 $0x3, s0;
	s31 =	sadd.s32 $0x2, s12;
	v44 =	vld.idx.msk [tilespmem:v44+s14+$0x0], $0xffff  }
0xdb: {  	v43 =	vadd.s32 s5, v53;
	v46 =	vadd.s32 s31, v53;
	v29 =	vadd.f32 v29, v30;
	v1 =	vld.idx.msk [tilespmem:v52+s13+$0x0], $0xffff  }
0xdc: {  	v39 =	vor.u32 $0x10, v0;
	v48 =	vand.u32 $0x7, v43;
	v47 =	vand.u32 $0x7, v46;
	v26 =	vld.idx.msk [tilespmem:v41+s13+$0x0], $0xffff  }
0xdd: {  	v46 =	vand.u32 $0x8, v46;
	v49 =	vor.u32 v2, v47;
	v31 =	vadd.f32 v31, v35;
	[tilespmem:v16+s17+$0x0] =	vst.idx.add.f32.msk $0xffff, v29  }
0xde: {  	v43 =	vand.u32 $0x8, v43;
	v30 =	vor.u32 v46, v49;
	v27 =	vadd.f32 v28, v27;
	v28 =	vld.idx.msk [tilespmem:v45+s14+$0x0], $0xffff  }
0xdf: {  	v50 =	vor.u32 v4, v48;
	v57 =	vor.u32 $0x10, v37;
	v51 =	vor.u32 v5, v47;
	[tilespmem:v6+s17+$0x0] =	vst.idx.add.f32.msk $0xffff, v31  }
0xe0: {  	v53 =	vor.u32 v43, v50;
	v60 =	vor.u32 v57, v42;
	v47 =	vor.u32 v4, v47;
	v63 =	vld.idx.msk [tilespmem:v23+s13+$0x0], $0xffff  }
0xe1: {  	v56 =	vor.u32 $0x10, v43;
	v52 =	vor.u32 v2, v48;
	v45 =	vor.u32 v46, v47;
	[tilespmem:v19+s17+$0x0] =	vst.idx.add.f32.msk $0xffff, v27  }
0xe2: {  	v36 =	vor.u32 v5, v36;
	v41 =	vor.u32 v43, v52;
	v23 =	vadd.f32 v25, v24;
	v61 =	vld.idx.msk [tilespmem:v21+s13+$0x0], $0xffff  }
0xe3: {  	v55 =	vor.u32 v39, v34;
	v38 =	vor.u32 v5, v38;
	v54 =	vor.u32 v0, v36;
	v2 =	vld.idx.msk [tilespmem:v30+s13+$0x0], $0xffff  }
0xe4: {  	v62 =	vor.u32 $0x20, v43;
	v22 =	vor.u32 v56, v50;
	v35 =	vor.u32 v37, v38;
	[tilespmem:v12+s17+$0x0] =	vst.idx.add.f32.msk $0xffff, v23  }
0xe5: {  	v33 =	vor.u32 v39, v32;
	v39 =	vor.u32 v39, v36;
	v59 =	vor.u32 v57, v40;
	v53 =	vld.idx.msk [tilespmem:v53+s14+$0x0], $0xffff  }
0xe6: {  	v57 =	vor.u32 v57, v38;
	v48 =	vor.u32 v5, v48;
	v1 =	vadd.f32 v44, v1;
	v45 =	vld.idx.msk [tilespmem:v45+s14+$0x0], $0xffff  }
0xe7: {  	v20 =	vor.u32 v56, v52;
	v3 =	vor.u32 v43, v48;
	v26 =	vadd.f32 v28, v26;
	v41 =	vld.idx.msk [tilespmem:v41+s13+$0x0], $0xffff  }
0xe8: {  	v25 =	vor.u32 v56, v48;
	v56 =	vor.u32 $0x20, v0;
	v0 =	vor.u32 $0x30, v0;
	[tilespmem:v54+s17+$0x0] =	vst.idx.add.f32.msk $0xffff, v1  }
0xe9: {  	v29 =	vor.u32 v56, v34;
	v21 =	vor.u32 $0x20, v37;
	v54 =	vor.u32 $0x30, v37;
	[tilespmem:v35+s17+$0x0] =	vst.idx.add.f32.msk $0xffff, v26  }
0xea: {  	v16 =	vor.u32 v56, v36;
	v44 =	vor.u32 v21, v40;
	v23 =	vor.u32 v54, v40;
	v40 =	vld.idx.msk [tilespmem:v17+s14+$0x0], $0xffff  }
0xeb: {  	v30 =	vor.u32 v56, v32;
	v12 =	vor.u32 v62, v48;
	v56 =	vor.u32 $0x30, v43;
	v43 =	vld.idx.msk [tilespmem:v18+s13+$0x0], $0xffff  }
0xec: {  	v18 =	vor.u32 v0, v32;
	v32 =	vor.u32 v0, v34;
	v0 =	vor.u32 v0, v36;
	v36 =	vld.idx.msk [tilespmem:v14+s13+$0x0], $0xffff  }
0xed: {  	v6 =	vor.u32 v21, v38;
	v1 =	vor.u32 v54, v38;
	v38 =	vor.u32 v56, v48;
	v48 =	vld.idx.msk [tilespmem:v55+s14+$0x0], $0xffff  }
0xee: {  	v58 =	vor.u32 v46, v51;
	v26 =	vor.u32 v62, v50;
	v17 =	vor.u32 v56, v50;
	v50 =	vld.idx.msk [tilespmem:v7+s14+$0x0], $0xffff  }
0xef: {  	v24 =	vor.u32 v62, v52;
	v31 =	vor.u32 v21, v42;
	v52 =	vor.u32 v56, v52;
	v56 =	vld.idx.msk [tilespmem:v15+s14+$0x0], $0xffff  }
0xf0: {  	v35 =	vor.u32 $0x30, v46;
	v42 =	vor.u32 v54, v42;
	v62 =	vor.u32 $0x10, v46;
	v34 =	vld.idx.msk [tilespmem:v13+s14+$0x0], $0xffff  }
0xf1: {  	v19 =	vor.u32 $0x20, v46;
	v37 =	vor.u32 v35, v47;
	v13 =	vmovc v42;
	v42 =	vld.idx.msk [tilespmem:v33+s13+$0x0], $0xffff;
	v46 =	vor.u32 v62, v49  }
0xf2: {  	v7 =	vmov v37;
	v37 =	vld.idx.msk [tilespmem:v60+s14+$0x0], $0xffff;
	v41 =	vadd.f32 v53, v41  }
0xf3: {  	v60 =	vld.idx.msk [tilespmem:v59+s13+$0x0], $0xffff;
	v2 =	vadd.f32 v45, v2  }
0xf4: {  	v28 =	vor.u32 v19, v47;
	[tilespmem:v3+s17+$0x0] =	vst.idx.add.f32.msk $0xffff, v41  }
0xf5: {  	v47 =	vor.u32 v62, v47;
	v36 =	vadd.f32 v40, v36;
	[tilespmem:v58+s17+$0x0] =	vst.idx.add.f32.msk $0xffff, v2  }
0xf6: {  	v15 =	vmov v32;
	v34 =	vadd.f32 v34, v63;
	v32 =	vld.idx.msk [tilespmem:v46+s13+$0x0], $0xffff  }
0xf7: {  	v3 =	vadd.f32 v48, v42;
	[tilespmem:v10+s17+$0x0] =	vst.idx.add.f32.msk $0xffff, v36  }
0xf8: {  	[tilespmem:v9+s17+$0x0] =	vst.idx.add.f32.msk $0xffff, v34  }
0xf9: {  	p0 =	slt.u32 s0, $0xC;
	v33 =	vor.u32 v62, v51;
	v62 =	vadd.f32 v50, v61;
	[tilespmem:v39+s17+$0x0] =	vst.idx.add.f32.msk $0xffff, v3  }
.Ltmp2:
0xfa: {  	v63 =	vadd.f32 v56, v43;
	v34 =	vld.idx.msk [tilespmem:v47+s14+$0x0], $0xffff;
	(pc) =	sbr.rel @p0 .LBB2_8-.Ltmp2, $4  }
0xfb: {  	v3 =	vadd.f32 v37, v60;
	[tilespmem:v8+s17+$0x0] =	vst.idx.add.f32.msk $0xffff, v62  }
0xfc: {  	v27 =	vor.u32 v19, v49;
	v19 =	vor.u32 v19, v51;
	[tilespmem:v11+s17+$0x0] =	vst.idx.add.f32.msk $0xffff, v63  }
0xfd: {  	s1 =	sadd.s32 $0x4, s0;
	v14 =	vmov v52;
	v21 =	vor.u32 v35, v49;
	v35 =	vor.u32 v35, v51;
	[tilespmem:v57+s17+$0x0] =	vst.idx.add.f32.msk $0xffff, v3  }
0xfe: {  	s0 =	smov.u32 s1;
	v53 =	vlaneseq.u32;
	v10 =	vmovc v38;
	v9 =	vmovc v1;
	v8 =	vmov v35;
	v11 =	vmov v0;
	v35 =	vld.idx.msk [tilespmem:v44+s13+$0x0], $0xffff  }
0xff: {  	_ =	sdelay $0x3  }
0x100: {  	v1 =	vld.idx.msk [tilespmem:v22+s14+$0x0], $0xffff  }
0x101: {  	v2 =	vld.idx.msk [tilespmem:v20+s13+$0x0], $0xffff  }
0x102: {  	v4 =	vld.idx.msk [tilespmem:v31+s14+$0x0], $0xffff  }
0x103: {  	v5 =	vld.idx.msk [tilespmem:v29+s14+$0x0], $0xffff  }
0x104: {  	v0 =	vadd.f32 v34, v32;
	v58 =	vld.idx.msk [tilespmem:v30+s13+$0x0], $0xffff;
	_ =	sdelay $0x1  }
0x105: {  	[tilespmem:v33+s17+$0x0] =	vst.idx.add.f32.msk $0xffff, v0  }
0x106: {  	v0 =	vld.idx.msk [tilespmem:v27+s13+$0x0], $0xffff;
	v1 =	vadd.f32 v1, v2  }
0x107: {  	v3 =	vld.idx.msk [tilespmem:v28+s14+$0x0], $0xffff;
	v4 =	vadd.f32 v4, v35  }
0x108: {  	v2 =	vadd.f32 v5, v58;
	[tilespmem:v25+s17+$0x0] =	vst.idx.add.f32.msk $0xffff, v1  }
0x109: {  	[tilespmem:v6+s17+$0x0] =	vst.idx.add.f32.msk $0xffff, v4  }
0x10a: {  	[tilespmem:v16+s17+$0x0] =	vst.idx.add.f32.msk $0xffff, v2  }
0x10b: {  	v1 =	vld.idx.msk [tilespmem:v26+s14+$0x0], $0xffff  }
0x10c: {  	v59 =	vld.idx.msk [tilespmem:v24+s13+$0x0], $0xffff  }
0x10d: {  	v4 =	vld.idx.msk [tilespmem:v23+s13+$0x0], $0xffff  }
0x10e: {  	v2 =	vld.idx.msk [tilespmem:v18+s13+$0x0], $0xffff  }
0x10f: {  	v0 =	vadd.f32 v3, v0;
	v60 =	vld.idx.msk [tilespmem:v13+s14+$0x0], $0xffff  }
0x110: {  	v63 =	vld.idx.msk [tilespmem:v15+s14+$0x0], $0xffff  }
0x111: {  	[tilespmem:v19+s17+$0x0] =	vst.idx.add.f32.msk $0xffff, v0  }
0x112: {  	v0 =	vld.idx.msk [tilespmem:v21+s13+$0x0], $0xffff;
	v1 =	vadd.f32 v1, v59  }
0x113: {  	v62 =	vld.idx.msk [tilespmem:v7+s14+$0x0], $0xffff  }
0x114: {  	[tilespmem:v12+s17+$0x0] =	vst.idx.add.f32.msk $0xffff, v1  }
0x115: {  	v1 =	vld.idx.msk [tilespmem:v17+s14+$0x0], $0xffff  }
0x116: {  	v61 =	vld.idx.msk [tilespmem:v14+s13+$0x0], $0xffff  }
0x117: {  	s29 =	sadd.s32 $0x1, s29  }
0x118: {  	p0 =	sne.s32 s29, $0x20;
	v3 =	vadd.f32 v60, v4  }
.Ltmp3:
0x119: {  	v2 =	vadd.f32 v63, v2;
	(pc) =	sbr.rel @p0 .LBB2_7-.Ltmp3, $4  }
0x11a: {  	[tilespmem:v9+s17+$0x0] =	vst.idx.add.f32.msk $0xffff, v3;
	v0 =	vadd.f32 v62, v0  }
0x11b: {  	[tilespmem:v11+s17+$0x0] =	vst.idx.add.f32.msk $0xffff, v2;
	v1 =	vadd.f32 v1, v61  }
0x11c: {  	[tilespmem:v8+s17+$0x0] =	vst.idx.add.f32.msk $0xffff, v0  }
0x11d: {  	[tilespmem:v10+s17+$0x0] =	vst.idx.add.f32.msk $0xffff, v1  }
0x11e: {  	s25 =	sadd.s32 $0x1, s25  }
0x11f: {  	p0 =	sne.s32 s25, $0x19  }
.Ltmp4:
0x120: {  	s0 =	sshll.u32 s26, $0x10;
	(pc) =	sbr.rel @p0 .LBB2_2-.Ltmp4, $4  }
0x121: {  	s0 =	sadd.s32 s9, s0  }
0x122: {  	s0 =	sshrl.u32 s0, $0x3  }
0x123: {  	s0 =	sadd.s32 s6, s0  }
0x124: {  	[hbm4b:s0+s19] =	stream.strided.scatter [tilespmem:s17], [sflag:$0x4], $0x8000, s20, s19, $0x38;
	[tilespmem:$0x1DB80] =	vst v63  }
0x125: {  	s24 =	sadd.s32 $0x1, s24  }
0x126: {  	p0 =	sne.s32 s24, s10  }
.Ltmp5:
0x127: {  	_ = 	snop;
	(pc) =	sbr.rel @p0 .LBB2_1-.Ltmp5, $4  }
0x128: {  	_ = 	snop  }
0x129: {  	_ =	swait.ge [sflag:s23], $0x8000  }
0x12a: {  	[sflag:s23] =	ssyncset.done $0x0  }
0x12b: {  	[sflag:s23] =	ssyncadd.s32 $0xFFFF8000  }
0x12c: {  	_ =	sfence.sel $0x180000  }
0x12d: {  	[bflag:$0x0] =	sbarrier.arrive $0xFFFF  }
0x12e: {  	_ =	strace $0x90000047  }
0x12f: {  	s0 =	stileid.u32;
	[bflag:$0x2] =	sbarrier.arrive $0xFFFF  }
0x130: {  	p0 =	sne.s32 s0, $0x0;
	s0 =	rddreg [dreg:$0x1]  }
0x131: {  	s0 =	sadd.s32 @!p0 $0x100000, s0  }
0x132: {  	[sflag:s0] =	ssyncadd.tile.s32 @!p0 $0x1;
	_ =	shalt  }
.Lfunc_end2:
_tile_overlayer_lowered:
.L_overlay_start_2:
0x133: {  	(tag) =	ssettag $0x2  }
0x134: {  	s0 =	rddreg [dreg:$0x0];
	s2 =	stileid.u32  }
0x135: {  	s1 =	rddreg [dreg:$0x1];
	p0 =	sne.s32 s2, $0x0  }
0x136: {  	s3 =	rddreg [dreg:$0x2];
	[bflag:$0x3] =	sbarrier.arrive $0xFFFF;
	s2 =	simm.s32 @!p0 $0x1C05  }
0x137: {  	[timem:s3], [sflag:s2] =	dma.local @!p0 [hbm:s0], s1  }
0x138: {  	s0 =	simm.s32 @!p0 $0x5  }
0x139: {  	_ =	swait.ge @!p0 [sflag:s0], s1  }
0x13a: {  	s1 =	ssub.s32 @!p0 $0x0, s1;
	[sflag:s0] =	ssyncset.done @!p0 $0x0  }
0x13b: {  	[sflag:s0] =	ssyncadd.s32 @!p0 s1  }
0x13c: {  	[bflag:$0x3] =	sbarrier.arrive $0xFFFF  }
0x13d: {  	_ =	shalt  }

// kernel: sparse-core-data-format-call.cloned.1.call-start
scs
called_computation_lowered:
.L_overlay_start_0:
0x0: {  	s2 =	sld [smem:$0x3FD9]  }
0x1: {  	s3 =	sld [smem:$0x3FFE];
	_ =	sdelay $0x1  }
0x2: {  	s1 =	srdreg.scid  }
0x3: {  	s0 =	sand.u32 $0x1, s1  }
0x4: {  	s18 =	sshll.u32 s0, $0xA;
	s2 =	sadd.s32 s3, s2  }
0x5: {  	s2 =	sadd.s32 s2, s18  }
0x6: {  	[smem:$0x3FC2] =	sst s2  }
0x7: {  	_ = 	snop  }
0x8: {  	s2 =	sld [smem:$0x3FD0];
	(tm) =	ssettm $0x1  }
0x9: {  	s19 =	sld [smem:$0x3FFB];
	_ =	sdelay $0x3  }
0xa: {  	_ =	strace s19  }
0xb: {  	s3 =	sld [smem:$0x3FFC];
	_ =	sdelay $0x3  }
0xc: {  	_ =	strace s3  }
0xd: {  	s3 =	sld [smem:$0x3FFD];
	_ =	sdelay $0x3  }
0xe: {  	_ =	strace s3  }
0xf: {  	_ =	strace $0x8FFFFFFF  }
0x10: {  	s20 =	sld [smem:$0x3FDB];
	_ =	sdelay $0x1  }
0x11: {  	s4 =	simm.s32 $_scs_section_size  }
0x12: {  	s5 =	simm.s32 $_size__tile_overlayer_lowered;
	s6 =	simm.s32 $_tile_overlayer_lowered  }
0x13: {  	s23 =	simm.s32 $0x1BFF;
	s22 =	sshll.u32 s6, $0x1;
	s3 =	sadd.s32 s4, s20  }
0x14: {  	s7 =	simm.s32 $0x0;
	s21 =	sshll.u32 s5, $0x1;
	s5 =	sadd.s32 s22, s3  }
0x15: {  	[timem:s7], [sflag:s23] =	dma.local [hbm:s5], s21  }
0x16: {  	_ =	swait.ge [sflag:s23], s21  }
0x17: {  	s4 =	ssub.s32 $0x0, s21;
	[sflag:s23] =	ssyncset.done $0x0  }
0x18: {  	[sflag:s23] =	ssyncadd.s32 s4;
	_ =	sdelay $0x1  }
0x19: {  	s24 =	simm.s32 $0x1B8B  }
0x1a: {  	_ =	swait.ge [sflag:s24], $0x1  }
0x1b: {  	[sflag:s24] =	ssyncset.done $0x0  }
0x1c: {  	s26 =	simm.s32 $0x1B8E;
	s25 =	sld [smem:$0x3FFE];
	[sflag:s24] =	ssyncadd.s32 $0xFFFFFFFF  }
0x1d: {  	s27 =	simm.s32 $execute0_lowered;
	[smem:$0x3FD2] =	sst s26  }
0x1e: {  	s5 =	sshll.u32 s27, $0x1;
	_ =	strace $0x80000049;
	[dreg:$0x1] =	wrdreg $0xFFFFFFFF  }
0x1f: {  	s28 =	simm.s32 $_size_execute0_lowered;
	s3 =	sadd.s32 s3, s5;
	[dreg:$0x0] =	wrdreg $0x0  }
0x20: {  	s5 =	sshll.u32 s28, $0x1;
	[dreg:$0x2] =	wrdreg s3  }
0x21: {  	[dreg:$0x3] =	wrdreg s5  }
0x22: {  	[dreg:$0x4] =	wrdreg $0xC0  }
0x23: {  	_ =	task [dreg:s7], $0x5FFFF  }
0x24: {  	[dreg:$0x1] =	wrdreg $0xFFFFFFFF  }
0x25: {  	[dreg:$0x0] =	wrdreg $0x60  }
0x26: {  	[dreg:$0x2] =	wrdreg s25  }
0x27: {  	[dreg:$0x3] =	wrdreg s2  }
0x28: {  	[dreg:$0x4] =	wrdreg $0x9  }
0x29: {  	_ =	task.clear_ibuf [dreg:s7], $0x5FFFF;
	_ =	strace $0x90000049  }
0x2a: {  	s29 =	simm.s32 $0x9;
	_ =	strace $0x8000004B  }
0x2b: {  	_ =	swait.ge [sflag:s29], $0x1  }
0x2c: {  	[sflag:s29] =	ssyncadd.s32 $0xFFFFFFFF  }
0x2d: {  	_ =	strace $0x9000004B  }
0x2e: {  	_ =	sfence  }
0x2f: {  	s30 =	sld [smem:$0x0];
	_ =	sdelay $0x2  }
0x30: {  	s31 =	sshll.u32 s1, $0xD;
	s1 =	sshrl.u32 s1, $0x2  }
0x31: {  	s3 =	sand.u32 $0x4000, s31;
	s1 =	sadd.s32 s1, s30  }
0x32: {  	s0 =	sor.u32 s3, s0;
	s1 =	sshll.u32 s1, $0x11  }
0x33: {  	s0 =	sor.u32 s1, s0  }
0x34: {  	s0 =	sadd.s32 $0x8F2B, s0  }
0x35: {  	[sflag:s0] =	ssyncadd.remote.s32 $0x1  }
0x36: {  	_ =	sfence.sel $0xFFFF  }
0x37: {  	[dreg:$0x0] =	wrdreg $0xFFFFFFFF;
	(pc) =	sbr.abs _section_cstart, $3  }
0x38: {  	[dreg:$0x1] =	wrdreg $0xFFFFFFFF  }
0x39: {  	_ =	task.clear_ibuf [dreg:s7], $0x2FFFF;
	_ =	strace $0x9FFFFFFF  }
0x3a: {  	(tm) =	ssettm $0x7FFFFFFF  }
0x3b: {  	_ =	shalt  }
tec
execute0_lowered:
.L_overlay_start_1:
0x0: {  	(tag) =	ssettag $0x1  }
0x1: {  	s0 =	srdreg.scid  }
0x2: {  	s1 =	sshll.u32 s0, $0x4  }
0x3: {  	s0 =	stileid.u32;
	s1 =	sand.u32 $0x10, s1  }
0x4: {  	s1 =	sor.u32 s0, s1  }
0x5: {  	s6 =	rddreg [dreg:$0x0];
	s4 =	simm.s32 $0x1;
	s2 =	sshll.u32 s1, $0x7  }
0x6: {  	s7 =	simm.s32 $0x2;
	s12 =	simm.s32 $0x0;
	s1 =	ssub.s32 $0x1000, s2  }
0x7: {  	s8 =	simm.s32 $0x8000;
	s13 =	simm.s32 $0x0;
	s3 =	sand.u32 $0xF80, s1  }
0x8: {  	s9 =	simm.s32 $0x0;
	s5 =	sshrl.u32 s1, $0xC;
	p0 =	sne.s32 s3, $0x0  }
.Ltmp0:
0x9: {  	s1 =	rddreg [dreg:$0x2];
	s4 =	simm.s32 @!p0 $0x0;
	(pc) =	sbr.rel .LBB1_1-.Ltmp0, $4  }
0xa: {  	s11 =	simm.s32 $0x0;
	s3 =	rddreg [dreg:$0x1];
	s5 =	sadd.s32 s4, s5  }
0xb: {  	_ =	strace $0x8000004A;
	s4 =	simm.s32 $0x1;
	s5 =	smul.u32 $0xC8, s5  }
0xc: {  	s6 =	sadd.s32 $0xF6400, s6;
	s10 =	smov.u32 s2;
	[sflag:s4] =	ssyncpa.u1 $0x0  }
0xd: {  	p0 =	por $0x0, $0x0;
	[sflag:s7] =	ssyncpa.u1 $0x0;
	s7 =	sor.u32 $0x1, s5  }
.LBB1_4:
0xe: {  	s16 =	sshll.u32 s13, $0x3;
	s17 =	sand.u32 $0x78, s13  }
0xf: {  	s30 =	sand.u32 $0x7E00, s13;
	s12 =	sshll.u32 s12, $0xF;
	s16 =	sand.u32 $0xC00, s16  }
0x10: {  	[tilespmem:s15+$0x810 ss:$0x81] =	vst.msk $0xffff, v2;
	s31 =	sand.u32 $0x7, s13;
	s16 =	sor.u32 s17, s16;
	s17 =	sadd.s32 s3, s30  }
0x11: {  	[tilespmem:s15+$0x1020 ss:$0x81] =	vst.msk $0xffff, v0;
	s13 =	sshll.u32 s31, $0x12;
	s12 =	sadd.s32 s12, s17;
	s16 =	sshrl.u32 s16, $0x3  }
0x12: {  	[tilespmem:s15+$0x0 ss:$0x81] =	vst.msk $0xffff, v1;
	s13 =	sor.u32 $0x400, s13;
	s12 =	sadd.s32 s16, s12  }
0x13: {  	[hbm4b:s12+s13] =	stream.strided.scatter [tilespmem:s14], [sflag:$0x2], $0x2000, s8, s13, $0x20;
	[tilespmem:$0x8080] =	vst v63  }
.LBB1_5:
0x14: {  	s14 =	sadd.s32 $0x1, s9  }
0x15: {  	s12 =	sadd.s32 $0x1000, s10;
	s16 =	smov.u32 s10;
	p2 =	sgt.s32 s14, $0xC7  }
0x16: {  	s16 =	smov.u32 @p2 s12  }
0x17: {  	s14 =	simm.s32 @p2 $0x0;
	p2 =	sgt.s32 s16, $0xFFF  }
0x18: {  	s16 =	smov.u32 @p2 s2;
	p2 =	sne.s32 s11, s7  }
.Ltmp1:
0x19: {  	p1 =	slt.u32 s11, $0x2;
	(pc) =	sbr.rel @!p2 .LBB1_6-.Ltmp1, $4  }
0x1a: {  	s15 =	simm.s32 @!p1 $0x2  }
0x1b: {  	s13 =	smov.u32 s10;
	p0 =	por !p0, !p0;
	_ =	swait.ge @!p1 [sflag:s15], $0x2000  }
0x1c: {  	s12 =	smov.u32 s9;
	[sflag:s15] =	ssyncset.done @!p1 $0x0;
	s9 =	smov.u32 s14  }
0x1d: {  	s11 =	sadd.s32 $0x1, s11;
	[sflag:s15] =	ssyncadd.s32 @!p1 $0xFFFFE000;
	s10 =	smov.u32 s16  }
.LBB1_1:
0x1e: {  	p1 =	sge.u32 s11, s5  }
0x1f: {  	s14 =	sand.u32 @!p1 $0x1FFFFFF, s9  }
0x20: {  	s15 =	smulhi.u32 @!p1 $0x147AE15, s14;
	_ =	sdelay $0x1  }
0x21: {  	s15 =	smul.u32 @!p1 $0xC8, s15  }
0x22: {  	s16 =	sxor.u32 @!p1 $0xFFFFFFFF, s11;
	s17 =	smul.u32 @!p1 $0xC80, s10  }
0x23: {  	s31 =	sadd.s32 $0xFFFFFFFF, s11;
	s16 =	sshll.u32 @!p1 s16, $0xD;
	s14 =	ssub.s32 @!p1 s14, s15  }
0x24: {  	s15 =	sand.u32 @!p1 $0x2000, s16;
	s16 =	sadd.s32 @!p1 s6, s17;
	s14 =	sshll.u32 @!p1 s14, $0x4  }
0x25: {  	s17 =	simm.s32 @!p1 $0x6400;
	s14 =	sadd.s32 @!p1 s14, s16;
	s16 =	simm.s32 @!p1 $0x40  }
0x26: {  	[tilespmem:s15], [sflag:$0x1] =	stream.strided.gather @!p1 [hbm4b:s14+s16], $0x2000, s17, s16, $0x38;
	[tilespmem:$0x8080] =	vst v63  }
0x27: {  	p1 =	sge.u32 s31, s5  }
.Ltmp2:
0x28: {  	_ = 	snop;
	(pc) =	sbr.rel @p1 .LBB1_5-.Ltmp2, $1  }
0x29: {  	_ =	sdelay $0x3  }
0x2a: {  	s14 =	simm.s32 $0x1  }
0x2b: {  	_ =	swait.ge [sflag:s4], $0x2000;
	s14 =	simm.s32 @!p0 $0x0  }
0x2c: {  	[sflag:s4] =	ssyncset.done $0x0;
	s15 =	sshll.u32 s14, $0xD  }
0x2d: {  	[sflag:s4] =	ssyncadd.s32 $0xFFFFE000;
	s18 =	sor.u32 $0x20, s15  }
0x2e: {  	s14 =	smul.u32 $0x8100, s14;
	v3 =	vld [tilespmem:s18+$0x10]  }
0x2f: {  	s30 =	sand.u32 $0x1, s11;
	v2 =	vld [tilespmem:s18+$0xFFFFFFF0]  }
0x30: {  	s15 =	smul.u32 $0x8100, s30;
	s14 =	sshrl.u32 s14, $0x2;
	v0 =	vld [tilespmem:s18+$0x0]  }
0x31: {  	v1 =	vld [tilespmem:s18+$0xFFFFFFE0];
	s16 =	sor.u32 $0x4000, s14  }
0x32: {  	s31 =	sshrl.u32 s15, $0x2;
	s15 =	sadd.s32 $0x0, s16  }
0x33: {  	s17 =	simm.s32 $0x4;
	s18 =	sadd.s32 $0x40, s18;
	s14 =	sor.u32 $0x4000, s31;
	[tilespmem:s15+$0x1830 ss:$0x81] =	vst.msk $0xffff, v3  }
.LBB1_3:
0x34: {  	v3 =	vld [tilespmem:s18+$0x10];
	p1 =	sne.s32 s17, $0x1FC;
	[tilespmem:s15+$0x810 ss:$0x81] =	vst.msk $0xffff, v2;
	s19 =	smov.u32 s17;
	s17 =	sadd.s32 $0x4, s17  }
.Ltmp3:
0x35: {  	v2 =	vld [tilespmem:s18+$0xFFFFFFF0];
	[tilespmem:s15+$0x1020 ss:$0x81] =	vst.msk $0xffff, v0;
	(pc) =	sbr.rel @p1 .LBB1_3-.Ltmp3, $4  }
0x36: {  	v0 =	vld [tilespmem:s18+$0x0];
	[tilespmem:s15+$0x0 ss:$0x81] =	vst.msk $0xffff, v1  }
0x37: {  	s15 =	sshra.s32 s19, $0x2;
	v1 =	vld [tilespmem:s18+$0xFFFFFFE0]  }
0x38: {  	s15 =	sadd.s32 s15, s16  }
0x39: {  	s18 =	sadd.s32 $0x40, s18;
	[tilespmem:s15+$0x1830 ss:$0x81] =	vst.msk $0xffff, v3  }
.Ltmp4:
0x3a: {  	_ = 	snop;
	(pc) =	sbr.rel .LBB1_4-.Ltmp4, $1  }
0x3b: {  	_ =	sdelay $0x3  }
.LBB1_6:
0x3c: {  	_ =	sfence.sel $0x180000  }
0x3d: {  	s2 =	simm.s32 $0x1;
	[bflag:$0x0] =	sbarrier.arrive $0xFFFF  }
0x3e: {  	s31 =	simm.s32 $0x2;
	[sflag:s2] =	ssyncpa.u1 $0x1  }
0x3f: {  	[sflag:s31] =	ssyncpa.u1 $0x1  }
0x40: {  	p0 =	sne.s32 s0, $0x0;
	_ =	strace $0x9000004A  }
0x41: {  	s0 =	sadd.s32 @!p0 $0x100000, s1;
	[bflag:$0x2] =	sbarrier.arrive $0xFFFF  }
0x42: {  	[sflag:s0] =	ssyncadd.tile.s32 @!p0 $0x1;
	_ =	shalt  }
.Lfunc_end1:
_tile_overlayer_lowered:
.L_overlay_start_2:
0x43: {  	(tag) =	ssettag $0x2  }
0x44: {  	s0 =	rddreg [dreg:$0x0];
	s2 =	stileid.u32  }
0x45: {  	s1 =	rddreg [dreg:$0x1];
	p0 =	sne.s32 s2, $0x0  }
0x46: {  	s3 =	rddreg [dreg:$0x2];
	[bflag:$0x3] =	sbarrier.arrive $0xFFFF;
	s2 =	simm.s32 @!p0 $0x1C01  }
0x47: {  	[timem:s3], [sflag:s2] =	dma.local @!p0 [hbm:s0], s1  }
0x48: {  	s0 =	simm.s32 @!p0 $0x1  }
0x49: {  	_ =	swait.ge @!p0 [sflag:s0], s1  }
0x4a: {  	s1 =	ssub.s32 @!p0 $0x0, s1;
	[sflag:s0] =	ssyncset.done @!p0 $0x0  }
0x4b: {  	[sflag:s0] =	ssyncadd.s32 @!p0 s1  }
0x4c: {  	[bflag:$0x3] =	sbarrier.arrive $0xFFFF  }
0x4d: {  	_ =	shalt  }

</sc_bundles>
